<compile_context>
chip_gen: v7x
topology: tpu7x:2x2x1
jax: 0.10.2.dev20260603
libtpu: 0.0.44.dev20260713+nightly
codegen_flags: <defaults>
</compile_context>

<pallas_src>
import functools

import jax
import jax.numpy as jnp
from jax import lax
from jax.experimental import pallas as pl
from jax.experimental.pallas import tpu as pltpu
from jax.experimental.pallas import tpu_sc as plsc

_N = 20000
_P = 30000
_NFRAMES = 8
_NSUB = 16

_N_PAD = 20480
_MASK_PER_TILE = _N_PAD // _NSUB
_PAIR_FLAT = 2 * _P
_IDX_ROWS = 30
_IDX_PER_TILE = _IDX_ROWS * 128
_PAIR_PAD = _NSUB * _IDX_PER_TILE


def _sc_body(pair_hbm, box_hbm, out_hbm,
             idx_v, ones_v, mask_v, box_v, part_v, parts_v, res_v,
             mask_sh, parts_sh):
  cid = lax.axis_index("c")
  sid = lax.axis_index("s")
  zeros16 = jnp.zeros((16,), jnp.int32)

  def _zero(j, carry):
    mask_v[pl.ds(pl.multiple_of(j * 16, 8), 16)] = zeros16
    return carry
  lax.fori_loop(0, _MASK_PER_TILE // 16, _zero, 0)
  pltpu.sync_copy(
      mask_v, mask_sh.at[pl.ds(pl.multiple_of(sid * _MASK_PER_TILE, 8),
                               _MASK_PER_TILE)])
  for j in range(8):
    ones_v[pl.ds(j * 16, 16)] = zeros16 + 1
  plsc.subcore_barrier()

  pltpu.sync_copy(pair_hbm.at[sid], idx_v)
  for j in range(_IDX_ROWS):
    pltpu.sync_copy(ones_v, mask_sh.at[idx_v.at[j]], add=True)
  plsc.subcore_barrier()

  pltpu.sync_copy(
      mask_sh.at[pl.ds(pl.multiple_of(sid * _MASK_PER_TILE, 8),
                       _MASK_PER_TILE)], mask_v)
  pltpu.sync_copy(box_hbm.at[sid], box_v)

  io16 = lax.iota(jnp.int32, 16)
  zeros16f = jnp.zeros((16,), jnp.float32)
  base = sid * _MASK_PER_TILE

  def _scan(j, carry):
    accs, maxcomb = carry
    off = pl.multiple_of(j * 16, 8)
    m = mask_v[pl.ds(off, 16)]
    bv = box_v[pl.ds(off, 16)]
    gi = base + j * 16 + io16
    valid = (m > 0) & (gi < _N)
    one = jnp.where(valid, 1.0, 0.0)
    accs = tuple(accs[c] + jnp.where(bv == c, one, 0.0)
                 for c in range(_NFRAMES))
    comb = jnp.where(valid, (gi * 64 + bv).astype(jnp.float32), -1.0)
    maxcomb = jnp.maximum(maxcomb, jnp.max(comb))
    return accs, maxcomb

  init = (tuple(zeros16f for _ in range(_NFRAMES)), jnp.float32(-1.0))
  accs, maxcomb = lax.fori_loop(0, _MASK_PER_TILE // 16, _scan, init)

  part = jnp.where(io16 == 8, maxcomb, 0.0)
  for c in range(_NFRAMES):
    part = jnp.where(io16 == c, jnp.sum(accs[c]), part)
  part_v[...] = part
  pltpu.sync_copy(part_v, parts_sh.at[sid])
  plsc.subcore_barrier()

  @pl.when((cid == 0) & (sid == 0))
  def _():
    pltpu.sync_copy(parts_sh, parts_v)
    acc_sum = zeros16f
    acc_max = zeros16f - 1.0
    for t in range(_NSUB):
      row = parts_v[t]
      acc_sum = acc_sum + row
      acc_max = jnp.maximum(acc_max, row)
    counts = jnp.where(io16 < _NFRAMES, acc_sum, 0.0)
    l_val = jnp.max(counts).astype(jnp.int32)
    comb = jnp.max(jnp.where(io16 == 8, acc_max, -1.0)).astype(jnp.int32)
    b_val = (comb & 63) + 1
    res_v[...] = jnp.where(io16 == 0, l_val,
                           jnp.where(io16 == 1, b_val, 0))
    pltpu.sync_copy(res_v, out_hbm)


@jax.jit
def _sc_lb(pair_grouped, box_grouped):
  mesh = plsc.VectorSubcoreMesh(core_axis_name="c", subcore_axis_name="s")
  return pl.kernel(
      _sc_body,
      out_type=jax.ShapeDtypeStruct((16,), jnp.int32),
      mesh=mesh,
      compiler_params=pltpu.CompilerParams(needs_layout_passes=False),
      scratch_types=[
          pltpu.VMEM((_IDX_ROWS, 128), jnp.int32),
          pltpu.VMEM((128,), jnp.int32),
          pltpu.VMEM((_MASK_PER_TILE,), jnp.int32),
          pltpu.VMEM((_MASK_PER_TILE,), jnp.int32),
          pltpu.VMEM((16,), jnp.float32),
          pltpu.VMEM((_NSUB, 16), jnp.float32),
          pltpu.VMEM((16,), jnp.int32),
          pltpu.VMEM_SHARED((_N_PAD,), jnp.int32),
          pltpu.VMEM_SHARED((_NSUB, 16), jnp.float32),
      ],
  )(pair_grouped, box_grouped)


_BM = 512


def _tc_body(dist_ref, boxes_ref, feat_ref, wemb_ref, posw_ref, posb_ref,
             bn1g_ref, bn1b_ref, bn1m_ref, bn1v_ref,
             w1_ref, b1_ref, bn2g_ref, bn2b_ref, bn2m_ref, bn2v_ref,
             w2_ref, b2_ref, out_ref):
  bx = boxes_ref[...]
  xy1 = bx[:, 1:3]
  xy2 = bx[:, 3:5]
  wh = xy2 - xy1 + 1.0
  ctr = xy1 + 0.5 * wh
  pos4 = jnp.concatenate([ctr, wh], axis=1)
  pos4 = ((pos4 - bn1m_ref[...]) / jnp.sqrt(bn1v_ref[...] + 1e-5)
          * bn1g_ref[...] + bn1b_ref[...])
  pos = jnp.maximum(
      jnp.dot(pos4, posw_ref[...], preferred_element_type=jnp.float32)
      + posb_ref[...], 0.0)
  emb = jnp.dot(dist_ref[...], wemb_ref[...],
                preferred_element_type=jnp.float32)
  w1 = w1_ref[...]
  h = (jnp.dot(feat_ref[...], w1[0:192, :],
               preferred_element_type=jnp.float32)
       + jnp.dot(emb, w1[192:392, :], preferred_element_type=jnp.float32)
       + jnp.dot(pos, w1[392:520, :], preferred_element_type=jnp.float32)
       + b1_ref[...])
  h = ((h - bn2m_ref[...]) / jnp.sqrt(bn2v_ref[...] + 1e-5)
       * bn2g_ref[...] + bn2b_ref[...])
  h = jnp.maximum(h, 0.0)
  out_ref[...] = (jnp.dot(h, w2_ref[...], preferred_element_type=jnp.float32)
                  + b2_ref[...])


@jax.jit
def _tc_decoder(distribution, boxes, features, W_embed, pos_W, pos_b,
                bn1g, bn1b, bn1m, bn1v, dec_W1, dec_b1,
                bn2g, bn2b, bn2m, bn2v, dec_W2, dec_b2):
  grid = (pl.cdiv(_N, _BM),)
  row = lambda i: (i, 0)
  rep = lambda i: (0, 0)
  return pl.pallas_call(
      _tc_body,
      grid=grid,
      in_specs=[
          pl.BlockSpec((_BM, 36), row),
          pl.BlockSpec((_BM, 5), row),
          pl.BlockSpec((_BM, 192), row),
          pl.BlockSpec((36, 200), rep),
          pl.BlockSpec((4, 128), rep),
          pl.BlockSpec((1, 128), rep),
          pl.BlockSpec((1, 4), rep),
          pl.BlockSpec((1, 4), rep),
          pl.BlockSpec((1, 4), rep),
          pl.BlockSpec((1, 4), rep),
          pl.BlockSpec((520, 1024), rep),
          pl.BlockSpec((1, 1024), rep),
          pl.BlockSpec((1, 1024), rep),
          pl.BlockSpec((1, 1024), rep),
          pl.BlockSpec((1, 1024), rep),
          pl.BlockSpec((1, 1024), rep),
          pl.BlockSpec((1024, 37), rep),
          pl.BlockSpec((1, 37), rep),
      ],
      out_specs=pl.BlockSpec((_BM, 37), row),
      out_shape=jax.ShapeDtypeStruct((_N, 37), jnp.float32),
  )(distribution, boxes, features, W_embed, pos_W, pos_b,
    bn1g, bn1b, bn1m, bn1v, dec_W1, dec_b1,
    bn2g, bn2b, bn2m, bn2v, dec_W2, dec_b2)


def kernel(distribution, boxes, features, scores, W_embed, pos_W, pos_b,
           bn1_gamma, bn1_beta, bn1_mean, bn1_var,
           dec_W1, dec_b1, bn2_gamma, bn2_beta, bn2_mean, bn2_var,
           dec_W2, dec_b2, labels, pair_idx):
  pair_flat = pair_idx.reshape(-1).astype(jnp.int32)
  pair_grouped = jnp.concatenate(
      [pair_flat,
       jnp.full((_PAIR_PAD - _PAIR_FLAT,), _N, jnp.int32)]
  ).reshape(_NSUB, _IDX_ROWS, 128)
  box_all = boxes[:, 0].astype(jnp.int32)
  box_grouped = jnp.concatenate(
      [box_all, jnp.zeros((_N_PAD - _N,), jnp.int32)]
  ).reshape(_NSUB, _MASK_PER_TILE)
  lb = _sc_lb(pair_grouped, box_grouped)

  new_distribution = _tc_decoder(
      distribution, boxes, features, W_embed, pos_W,
      pos_b.reshape(1, 128),
      bn1_gamma.reshape(1, 4), bn1_beta.reshape(1, 4),
      bn1_mean.reshape(1, 4), bn1_var.reshape(1, 4),
      dec_W1, dec_b1.reshape(1, 1024),
      bn2_gamma.reshape(1, 1024), bn2_beta.reshape(1, 1024),
      bn2_mean.reshape(1, 1024), bn2_var.reshape(1, 1024),
      dec_W2, dec_b2.reshape(1, 37))

  return new_distribution, labels, scores, lb[0], lb[1]

# --- scband reference (transcript-rebuilt; emitter-appended) ---
"""Pipeline reference for scband-sttran-70308614635934 (READ-ONLY COPY).

The authoritative reference and input builder live on the scoring server;
editing this copy changes nothing except your own understanding.
"""

import jax, jax.numpy as jnp
import numpy as np

N = 20000
P = 30000
B = 8
NUM_CLASSES = 37


def center_size(boxes):
    wh = boxes[:, 2:] - boxes[:, :2] + 1.0
    return jnp.concatenate([boxes[:, :2] + 0.5 * wh, wh], axis=1)


def bn_eval(x, gamma, beta, mean, var, eps=1e-5):
    return (x - mean) / jnp.sqrt(var + eps) * gamma + beta


def setup_inputs(seed: int = 0) -> dict:
    key = jax.random.key(seed)
    ks = jax.random.split(key, 16)
    frame_ids = jnp.sort(jax.random.randint(ks[0], (N,), 0, B)).astype(jnp.float32)
    xy1 = jax.random.uniform(ks[1], (N, 2)) * 400.0
    wh = jax.random.uniform(ks[2], (N, 2)) * 200.0 + 1.0
    boxes = jnp.concatenate([frame_ids[:, None], xy1, xy1 + wh], axis=1)
    distribution = jax.nn.softmax(jax.random.normal(ks[3], (N, NUM_CLASSES - 1)), axis=1)
    features = jax.random.normal(ks[4], (N, 192), dtype=jnp.float32)
    labels = jax.random.randint(ks[5], (N,), 0, NUM_CLASSES)
    scores = jax.random.uniform(ks[6], (N,))
    pair_idx = jax.random.randint(ks[7], (P, 2), 0, N)
    W_embed = jax.random.normal(ks[8], (NUM_CLASSES - 1, 200)) * 0.1
    pos_W = jax.random.normal(ks[9], (4, 128)) * 0.05
    pos_b = jnp.zeros((128,), jnp.float32)
    bn1_gamma = jnp.ones((4,), jnp.float32)
    bn1_beta = jnp.zeros((4,), jnp.float32)
    bn1_mean = jnp.zeros((4,), jnp.float32)
    bn1_var = jnp.ones((4,), jnp.float32)
    dec_W1 = jax.random.normal(ks[10], (192 + 200 + 128, 1024)) * 0.02
    dec_b1 = jnp.zeros((1024,), jnp.float32)
    bn2_gamma = jnp.ones((1024,), jnp.float32)
    bn2_beta = jnp.zeros((1024,), jnp.float32)
    bn2_mean = jnp.zeros((1024,), jnp.float32)
    bn2_var = jnp.ones((1024,), jnp.float32)
    dec_W2 = jax.random.normal(ks[11], (1024, NUM_CLASSES)) * 0.02
    dec_b2 = jnp.zeros((NUM_CLASSES,), jnp.float32)
    return {
        'distribution': distribution, 'boxes': boxes, 'features': features,
        'scores': scores, 'W_embed': W_embed, 'pos_W': pos_W, 'pos_b': pos_b,
        'bn1_gamma': bn1_gamma, 'bn1_beta': bn1_beta, 'bn1_mean': bn1_mean, 'bn1_var': bn1_var,
        'dec_W1': dec_W1, 'dec_b1': dec_b1, 'bn2_gamma': bn2_gamma, 'bn2_beta': bn2_beta,
        'bn2_mean': bn2_mean, 'bn2_var': bn2_var, 'dec_W2': dec_W2, 'dec_b2': dec_b2,
        'labels': labels, 'pair_idx': pair_idx,
    }


def reference(distribution, boxes, features, scores, W_embed, pos_W, pos_b,
              bn1_gamma, bn1_beta, bn1_mean, bn1_var,
              dec_W1, dec_b1, bn2_gamma, bn2_beta, bn2_mean, bn2_var,
              dec_W2, dec_b2, labels, pair_idx):
    # sgdet / is_wks branch of ObjectClassifier.forward (eval: dropout = identity, BN uses running stats)
    obj_embed = distribution @ W_embed
    pos = center_size(boxes[:, 1:])
    pos = bn_eval(pos, bn1_gamma, bn1_beta, bn1_mean, bn1_var)
    pos = jax.nn.relu(pos @ pos_W + pos_b)
    obj_features = jnp.concatenate([features, obj_embed, pos], axis=1)
    # box_idx = boxes[:,0][pair_idx.unique()]; l = count of mode; b = last + 1
    present = jnp.zeros((N,), dtype=bool).at[pair_idx.reshape(-1)].set(True)
    box_all = boxes[:, 0].astype(jnp.int32)
    counts = jnp.zeros((64,), dtype=jnp.int32).at[box_all].add(present.astype(jnp.int32))
    mode_val = jnp.argmax(counts)
    l = jnp.sum(jnp.where(present, box_all == mode_val, False))
    last_idx = jnp.max(jnp.where(present, jnp.arange(N), -1))
    b = box_all[last_idx] + 1
    h = obj_features @ dec_W1 + dec_b1
    h = bn_eval(h, bn2_gamma, bn2_beta, bn2_mean, bn2_var)
    h = jax.nn.relu(h)
    new_distribution = h @ dec_W2 + dec_b2
    pred_labels = labels
    pred_scores = scores
    return new_distribution, pred_labels, pred_scores, l, b

if __name__ == "__main__":
    import jax
    _d = setup_inputs()
    print(jax.jit(kernel)(*tuple(_d.values())))

</pallas_src>

<mosaic_0001>
#map = affine_map<(d0, d1) -> (0, 0, 0)>
#map1 = affine_map<(d0, d1) -> (0, 0)>
#map2 = affine_map<(d0, d1) -> (0)>
module attributes {stable_mosaic.version = 14 : i64} {
  func.func @_sc_body(%arg0: i32, %arg1: i32, %arg2: memref<16x30x128xi32, #tpu.memory_space<hbm>>, %arg3: memref<16x1280xi32, #tpu.memory_space<hbm>>, %arg4: memref<16xi32, #tpu.memory_space<hbm>>, %arg5: memref<30x128xi32, #tpu.memory_space<vmem>>, %arg6: memref<128xi32, #tpu.memory_space<vmem>>, %arg7: memref<1280xi32, #tpu.memory_space<vmem>>, %arg8: memref<1280xi32, #tpu.memory_space<vmem>>, %arg9: memref<16xf32, #tpu.memory_space<vmem>>, %arg10: memref<16x16xf32, #tpu.memory_space<vmem>>, %arg11: memref<16xi32, #tpu.memory_space<vmem>>, %arg12: memref<20480xi32, #tpu.memory_space<vmem_shared>>, %arg13: memref<16x16xf32, #tpu.memory_space<vmem_shared>>) attributes {dimension_semantics = [#tpu.dimension_semantics<core_parallel>, #tpu.dimension_semantics<subcore_parallel>], iteration_bounds = array<i64: 2, 16>, scalar_prefetch = 0 : i64, scratch_operands = 9 : i64, tpu.core_type = #tpu.core_type<sc_vector_subcore>, window_params = [{transform_indices = #map}, {transform_indices = #map1}, {transform_indices = #map2}]} {
    %broadcast_in_dim3A = arith.constant 0 : i32
    %broadcast_in_dim3A_0 = vector.broadcast %broadcast_in_dim3A : i32 to vector<16xi32>
    %scan3A = arith.constant 0 : i32
    %scan3A_1 = arith.constant 0 : i32
    %scan3A_2 = arith.constant 80 : i32
    %scan3A_3 = arith.addi %scan3A_1, %scan3A_2 : i32
    %scan3A_4 = arith.constant 1 : i32
    scf.for %scan3A_172 = %scan3A_1 to %scan3A_3 step %scan3A_4  : i32 {
      %mul3A_173 = arith.constant 16 : i32
      %mul3A_174 = arith.muli %scan3A_172, %mul3A_173 : i32
      %multiple_of3A_175 = tpu.assume_multiple %mul3A_174, 8 : i32
      %swap3A_176 = arith.index_cast %multiple_of3A_175 : i32 to index
      %swap3A_177 = tpu.vector_load %arg7[%swap3A_176] {strides = array<i32>} : memref<1280xi32, #tpu.memory_space<vmem>>, vector<16xi32>,
      tpu.vector_store %arg7[%swap3A_176], %broadcast_in_dim3A_0 {strides = array<i32>} : memref<1280xi32, #tpu.memory_space<vmem>>, vector<16xi32>,
    }
    %scan3A_5 = arith.constant 80 : i32
    %mul3A = arith.constant 1280 : i32
    %mul3A_6 = arith.muli %arg1, %mul3A : i32
    %multiple_of3A = tpu.assume_multiple %mul3A_6, 8 : i32
    "tpu.region"() ({
      %run_scoped3A_172 = tpu.sem_alloc : memref<!tpu.dma_semaphore, #tpu.memory_space<semaphore_mem>>
      %dma_start3A = tpu.memref_slice %arg12[%multiple_of3A] : memref<20480xi32, #tpu.memory_space<vmem_shared>> -> memref<1280xi32, #tpu.memory_space<vmem_shared>>
      %dma_start3A_173 = tpu.memref_slice %arg12[%multiple_of3A] : memref<20480xi32, #tpu.memory_space<vmem_shared>> -> memref<1280xi32, #tpu.memory_space<vmem_shared>>
      tpu.enqueue_dma source(%arg7 : memref<1280xi32, #tpu.memory_space<vmem>>) target(%dma_start3A_173 : memref<1280xi32, #tpu.memory_space<vmem_shared>>) target_semaphore(%run_scoped3A_172 : memref<!tpu.dma_semaphore, #tpu.memory_space<semaphore_mem>>)
      %dma_wait3A = tpu.memref_slice %arg12[%multiple_of3A] : memref<20480xi32, #tpu.memory_space<vmem_shared>> -> memref<1280xi32, #tpu.memory_space<vmem_shared>>
      %dma_wait3A_174 = tpu.memref_slice %arg12[%multiple_of3A] : memref<20480xi32, #tpu.memory_space<vmem_shared>> -> memref<1280xi32, #tpu.memory_space<vmem_shared>>
      tpu.wait_dma2 semaphore(%run_scoped3A_172 : memref<!tpu.dma_semaphore, #tpu.memory_space<semaphore_mem>>) src(%arg7 : memref<1280xi32, #tpu.memory_space<vmem>>) dst(%dma_wait3A_174 : memref<1280xi32, #tpu.memory_space<vmem_shared>>)
      tpu.yield
    }) : () -> ()
    %add3A = arith.constant 1 : i32
    %add3A_7 = vector.broadcast %add3A : i32 to vector<16xi32>
    %add3A_8 = arith.addi %broadcast_in_dim3A_0, %add3A_7 : vector<16xi32>
    %swap3A = arith.constant 0 : index
    %swap3A_9 = tpu.vector_load %arg6[%swap3A] {strides = array<i32>} : memref<128xi32, #tpu.memory_space<vmem>>, vector<16xi32>,
    tpu.vector_store %arg6[%swap3A], %add3A_8 {strides = array<i32>} : memref<128xi32, #tpu.memory_space<vmem>>, vector<16xi32>,
    %add3A_10 = arith.constant 1 : i32
    %add3A_11 = vector.broadcast %add3A_10 : i32 to vector<16xi32>
    %add3A_12 = arith.addi %broadcast_in_dim3A_0, %add3A_11 : vector<16xi32>
    %swap3A_13 = arith.constant 16 : index
    %swap3A_14 = tpu.vector_load %arg6[%swap3A_13] {strides = array<i32>} : memref<128xi32, #tpu.memory_space<vmem>>, vector<16xi32>,
    tpu.vector_store %arg6[%swap3A_13], %add3A_12 {strides = array<i32>} : memref<128xi32, #tpu.memory_space<vmem>>, vector<16xi32>,
    %add3A_15 = arith.constant 1 : i32
    %add3A_16 = vector.broadcast %add3A_15 : i32 to vector<16xi32>
    %add3A_17 = arith.addi %broadcast_in_dim3A_0, %add3A_16 : vector<16xi32>
    %swap3A_18 = arith.constant 32 : index
    %swap3A_19 = tpu.vector_load %arg6[%swap3A_18] {strides = array<i32>} : memref<128xi32, #tpu.memory_space<vmem>>, vector<16xi32>,
    tpu.vector_store %arg6[%swap3A_18], %add3A_17 {strides = array<i32>} : memref<128xi32, #tpu.memory_space<vmem>>, vector<16xi32>,
    %add3A_20 = arith.constant 1 : i32
    %add3A_21 = vector.broadcast %add3A_20 : i32 to vector<16xi32>
    %add3A_22 = arith.addi %broadcast_in_dim3A_0, %add3A_21 : vector<16xi32>
    %swap3A_23 = arith.constant 48 : index
    %swap3A_24 = tpu.vector_load %arg6[%swap3A_23] {strides = array<i32>} : memref<128xi32, #tpu.memory_space<vmem>>, vector<16xi32>,
    tpu.vector_store %arg6[%swap3A_23], %add3A_22 {strides = array<i32>} : memref<128xi32, #tpu.memory_space<vmem>>, vector<16xi32>,
    %add3A_25 = arith.constant 1 : i32
    %add3A_26 = vector.broadcast %add3A_25 : i32 to vector<16xi32>
    %add3A_27 = arith.addi %broadcast_in_dim3A_0, %add3A_26 : vector<16xi32>
    %swap3A_28 = arith.constant 64 : index
    %swap3A_29 = tpu.vector_load %arg6[%swap3A_28] {strides = array<i32>} : memref<128xi32, #tpu.memory_space<vmem>>, vector<16xi32>,
    tpu.vector_store %arg6[%swap3A_28], %add3A_27 {strides = array<i32>} : memref<128xi32, #tpu.memory_space<vmem>>, vector<16xi32>,
    %add3A_30 = arith.constant 1 : i32
    %add3A_31 = vector.broadcast %add3A_30 : i32 to vector<16xi32>
    %add3A_32 = arith.addi %broadcast_in_dim3A_0, %add3A_31 : vector<16xi32>
    %swap3A_33 = arith.constant 80 : index
    %swap3A_34 = tpu.vector_load %arg6[%swap3A_33] {strides = array<i32>} : memref<128xi32, #tpu.memory_space<vmem>>, vector<16xi32>,
    tpu.vector_store %arg6[%swap3A_33], %add3A_32 {strides = array<i32>} : memref<128xi32, #tpu.memory_space<vmem>>, vector<16xi32>,
    %add3A_35 = arith.constant 1 : i32
    %add3A_36 = vector.broadcast %add3A_35 : i32 to vector<16xi32>
    %add3A_37 = arith.addi %broadcast_in_dim3A_0, %add3A_36 : vector<16xi32>
    %swap3A_38 = arith.constant 96 : index
    %swap3A_39 = tpu.vector_load %arg6[%swap3A_38] {strides = array<i32>} : memref<128xi32, #tpu.memory_space<vmem>>, vector<16xi32>,
    tpu.vector_store %arg6[%swap3A_38], %add3A_37 {strides = array<i32>} : memref<128xi32, #tpu.memory_space<vmem>>, vector<16xi32>,
    %add3A_40 = arith.constant 1 : i32
    %add3A_41 = vector.broadcast %add3A_40 : i32 to vector<16xi32>
    %add3A_42 = arith.addi %broadcast_in_dim3A_0, %add3A_41 : vector<16xi32>
    %swap3A_43 = arith.constant 112 : index
    %swap3A_44 = tpu.vector_load %arg6[%swap3A_43] {strides = array<i32>} : memref<128xi32, #tpu.memory_space<vmem>>, vector<16xi32>,
    tpu.vector_store %arg6[%swap3A_43], %add3A_42 {strides = array<i32>} : memref<128xi32, #tpu.memory_space<vmem>>, vector<16xi32>,
    %barrier3A = arith.constant 0 : index
    tpu.barrier barrier_id(%barrier3A)
    "tpu.region"() ({
      %run_scoped3A_172 = tpu.sem_alloc : memref<!tpu.dma_semaphore, #tpu.memory_space<semaphore_mem>>
      %dma_start3A = arith.constant 0 : i32
      %dma_start3A_173 = arith.constant 0 : i32
      %dma_start3A_174 = tpu.memref_slice %arg2[%arg1, %dma_start3A, %dma_start3A_173] : memref<16x30x128xi32, #tpu.memory_space<hbm>> -> memref<1x30x128xi32, #tpu.memory_space<hbm>>
      %dma_start3A_175 = tpu.memref_squeeze %dma_start3A_174 : memref<1x30x128xi32, #tpu.memory_space<hbm>> -> memref<30x128xi32, #tpu.memory_space<hbm>>
      %dma_start3A_176 = arith.constant 0 : i32
      %dma_start3A_177 = arith.constant 0 : i32
      %dma_start3A_178 = tpu.memref_slice %arg2[%arg1, %dma_start3A_176, %dma_start3A_177] : memref<16x30x128xi32, #tpu.memory_space<hbm>> -> memref<1x30x128xi32, #tpu.memory_space<hbm>>
      %dma_start3A_179 = tpu.memref_squeeze %dma_start3A_178 : memref<1x30x128xi32, #tpu.memory_space<hbm>> -> memref<30x128xi32, #tpu.memory_space<hbm>>
      tpu.enqueue_dma source(%dma_start3A_179 : memref<30x128xi32, #tpu.memory_space<hbm>>) target(%arg5 : memref<30x128xi32, #tpu.memory_space<vmem>>) target_semaphore(%run_scoped3A_172 : memref<!tpu.dma_semaphore, #tpu.memory_space<semaphore_mem>>)
      %dma_wait3A = arith.constant 0 : i32
      %dma_wait3A_180 = arith.constant 0 : i32
      %dma_wait3A_181 = tpu.memref_slice %arg2[%arg1, %dma_wait3A, %dma_wait3A_180] : memref<16x30x128xi32, #tpu.memory_space<hbm>> -> memref<1x30x128xi32, #tpu.memory_space<hbm>>
      %dma_wait3A_182 = tpu.memref_squeeze %dma_wait3A_181 : memref<1x30x128xi32, #tpu.memory_space<hbm>> -> memref<30x128xi32, #tpu.memory_space<hbm>>
      %dma_wait3A_183 = arith.constant 0 : i32
      %dma_wait3A_184 = arith.constant 0 : i32
      %dma_wait3A_185 = tpu.memref_slice %arg2[%arg1, %dma_wait3A_183, %dma_wait3A_184] : memref<16x30x128xi32, #tpu.memory_space<hbm>> -> memref<1x30x128xi32, #tpu.memory_space<hbm>>
      %dma_wait3A_186 = tpu.memref_squeeze %dma_wait3A_185 : memref<1x30x128xi32, #tpu.memory_space<hbm>> -> memref<30x128xi32, #tpu.memory_space<hbm>>
      tpu.wait_dma2 semaphore(%run_scoped3A_172 : memref<!tpu.dma_semaphore, #tpu.memory_space<semaphore_mem>>) src(%dma_wait3A_186 : memref<30x128xi32, #tpu.memory_space<hbm>>) dst(%arg5 : memref<30x128xi32, #tpu.memory_space<vmem>>)
      tpu.yield
    }) : () -> ()
    %run_scoped3A = arith.constant 0 : i32
    "tpu.region"() ({
      %run_scoped3A_172 = tpu.sem_alloc : memref<!tpu.dma_semaphore, #tpu.memory_space<semaphore_mem>>
      %dma_start3A = arith.constant 0 : i32
      %dma_start3A_173 = tpu.memref_slice %arg5[%run_scoped3A, %dma_start3A] : memref<30x128xi32, #tpu.memory_space<vmem>> -> memref<1x128xi32, #tpu.memory_space<vmem>>
      %dma_start3A_174 = tpu.memref_squeeze %dma_start3A_173 : memref<1x128xi32, #tpu.memory_space<vmem>> -> memref<128xi32, #tpu.memory_space<vmem>>
      %dma_start3A_175 = arith.constant 0 : i32
      %dma_start3A_176 = tpu.memref_slice %arg12[%dma_start3A_175] : memref<20480xi32, #tpu.memory_space<vmem_shared>> -> memref<20480xi32, #tpu.memory_space<vmem_shared>>
      tpu.enqueue_indirect_dma source(%arg6 : memref<128xi32, #tpu.memory_space<vmem>>) target(%dma_start3A_176 : memref<20480xi32, #tpu.memory_space<vmem_shared>>) offsets(%dma_start3A_174 : memref<128xi32, #tpu.memory_space<vmem>>) semaphore(%run_scoped3A_172 : memref<!tpu.dma_semaphore, #tpu.memory_space<semaphore_mem>>) {add = true}
      %dma_wait3A = arith.constant 0 : i32
      %dma_wait3A_177 = tpu.memref_slice %arg5[%run_scoped3A, %dma_wait3A] : memref<30x128xi32, #tpu.memory_space<vmem>> -> memref<1x128xi32, #tpu.memory_space<vmem>>
      %dma_wait3A_178 = tpu.memref_squeeze %dma_wait3A_177 : memref<1x128xi32, #tpu.memory_space<vmem>> -> memref<128xi32, #tpu.memory_space<vmem>>
      %dma_wait3A_179 = arith.constant 0 : i32
      %dma_wait3A_180 = tpu.memref_slice %arg12[%dma_wait3A_179] : memref<20480xi32, #tpu.memory_space<vmem_shared>> -> memref<20480xi32, #tpu.memory_space<vmem_shared>>
      tpu.wait_indirect_dma semaphore(%run_scoped3A_172 : memref<!tpu.dma_semaphore, #tpu.memory_space<semaphore_mem>>) src(%arg6 : memref<128xi32, #tpu.memory_space<vmem>>) dst(%dma_wait3A_180 : memref<20480xi32, #tpu.memory_space<vmem_shared>>)
      tpu.yield
    }) : () -> ()
    %run_scoped3A_45 = arith.constant 1 : i32
    "tpu.region"() ({
      %run_scoped3A_172 = tpu.sem_alloc : memref<!tpu.dma_semaphore, #tpu.memory_space<semaphore_mem>>
      %dma_start3A = arith.constant 0 : i32
      %dma_start3A_173 = tpu.memref_slice %arg5[%run_scoped3A_45, %dma_start3A] : memref<30x128xi32, #tpu.memory_space<vmem>> -> memref<1x128xi32, #tpu.memory_space<vmem>>
      %dma_start3A_174 = tpu.memref_squeeze %dma_start3A_173 : memref<1x128xi32, #tpu.memory_space<vmem>> -> memref<128xi32, #tpu.memory_space<vmem>>
      %dma_start3A_175 = arith.constant 0 : i32
      %dma_start3A_176 = tpu.memref_slice %arg12[%dma_start3A_175] : memref<20480xi32, #tpu.memory_space<vmem_shared>> -> memref<20480xi32, #tpu.memory_space<vmem_shared>>
      tpu.enqueue_indirect_dma source(%arg6 : memref<128xi32, #tpu.memory_space<vmem>>) target(%dma_start3A_176 : memref<20480xi32, #tpu.memory_space<vmem_shared>>) offsets(%dma_start3A_174 : memref<128xi32, #tpu.memory_space<vmem>>) semaphore(%run_scoped3A_172 : memref<!tpu.dma_semaphore, #tpu.memory_space<semaphore_mem>>) {add = true}
      %dma_wait3A = arith.constant 0 : i32
      %dma_wait3A_177 = tpu.memref_slice %arg5[%run_scoped3A_45, %dma_wait3A] : memref<30x128xi32, #tpu.memory_space<vmem>> -> memref<1x128xi32, #tpu.memory_space<vmem>>
      %dma_wait3A_178 = tpu.memref_squeeze %dma_wait3A_177 : memref<1x128xi32, #tpu.memory_space<vmem>> -> memref<128xi32, #tpu.memory_space<vmem>>
      %dma_wait3A_179 = arith.constant 0 : i32
      %dma_wait3A_180 = tpu.memref_slice %arg12[%dma_wait3A_179] : memref<20480xi32, #tpu.memory_space<vmem_shared>> -> memref<20480xi32, #tpu.memory_space<vmem_shared>>
      tpu.wait_indirect_dma semaphore(%run_scoped3A_172 : memref<!tpu.dma_semaphore, #tpu.memory_space<semaphore_mem>>) src(%arg6 : memref<128xi32, #tpu.memory_space<vmem>>) dst(%dma_wait3A_180 : memref<20480xi32, #tpu.memory_space<vmem_shared>>)
      tpu.yield
    }) : () -> ()
    %run_scoped3A_46 = arith.constant 2 : i32
    "tpu.region"() ({
      %run_scoped3A_172 = tpu.sem_alloc : memref<!tpu.dma_semaphore, #tpu.memory_space<semaphore_mem>>
      %dma_start3A = arith.constant 0 : i32
      %dma_start3A_173 = tpu.memref_slice %arg5[%run_scoped3A_46, %dma_start3A] : memref<30x128xi32, #tpu.memory_space<vmem>> -> memref<1x128xi32, #tpu.memory_space<vmem>>
      %dma_start3A_174 = tpu.memref_squeeze %dma_start3A_173 : memref<1x128xi32, #tpu.memory_space<vmem>> -> memref<128xi32, #tpu.memory_space<vmem>>
      %dma_start3A_175 = arith.constant 0 : i32
      %dma_start3A_176 = tpu.memref_slice %arg12[%dma_start3A_175] : memref<20480xi32, #tpu.memory_space<vmem_shared>> -> memref<20480xi32, #tpu.memory_space<vmem_shared>>
      tpu.enqueue_indirect_dma source(%arg6 : memref<128xi32, #tpu.memory_space<vmem>>) target(%dma_start3A_176 : memref<20480xi32, #tpu.memory_space<vmem_shared>>) offsets(%dma_start3A_174 : memref<128xi32, #tpu.memory_space<vmem>>) semaphore(%run_scoped3A_172 : memref<!tpu.dma_semaphore, #tpu.memory_space<semaphore_mem>>) {add = true}
      %dma_wait3A = arith.constant 0 : i32
      %dma_wait3A_177 = tpu.memref_slice %arg5[%run_scoped3A_46, %dma_wait3A] : memref<30x128xi32, #tpu.memory_space<vmem>> -> memref<1x128xi32, #tpu.memory_space<vmem>>
      %dma_wait3A_178 = tpu.memref_squeeze %dma_wait3A_177 : memref<1x128xi32, #tpu.memory_space<vmem>> -> memref<128xi32, #tpu.memory_space<vmem>>
      %dma_wait3A_179 = arith.constant 0 : i32
      %dma_wait3A_180 = tpu.memref_slice %arg12[%dma_wait3A_179] : memref<20480xi32, #tpu.memory_space<vmem_shared>> -> memref<20480xi32, #tpu.memory_space<vmem_shared>>
      tpu.wait_indirect_dma semaphore(%run_scoped3A_172 : memref<!tpu.dma_semaphore, #tpu.memory_space<semaphore_mem>>) src(%arg6 : memref<128xi32, #tpu.memory_space<vmem>>) dst(%dma_wait3A_180 : memref<20480xi32, #tpu.memory_space<vmem_shared>>)
      tpu.yield
    }) : () -> ()
    %run_scoped3A_47 = arith.constant 3 : i32
    "tpu.region"() ({
      %run_scoped3A_172 = tpu.sem_alloc : memref<!tpu.dma_semaphore, #tpu.memory_space<semaphore_mem>>
      %dma_start3A = arith.constant 0 : i32
      %dma_start3A_173 = tpu.memref_slice %arg5[%run_scoped3A_47, %dma_start3A] : memref<30x128xi32, #tpu.memory_space<vmem>> -> memref<1x128xi32, #tpu.memory_space<vmem>>
      %dma_start3A_174 = tpu.memref_squeeze %dma_start3A_173 : memref<1x128xi32, #tpu.memory_space<vmem>> -> memref<128xi32, #tpu.memory_space<vmem>>
      %dma_start3A_175 = arith.constant 0 : i32
      %dma_start3A_176 = tpu.memref_slice %arg12[%dma_start3A_175] : memref<20480xi32, #tpu.memory_space<vmem_shared>> -> memref<20480xi32, #tpu.memory_space<vmem_shared>>
      tpu.enqueue_indirect_dma source(%arg6 : memref<128xi32, #tpu.memory_space<vmem>>) target(%dma_start3A_176 : memref<20480xi32, #tpu.memory_space<vmem_shared>>) offsets(%dma_start3A_174 : memref<128xi32, #tpu.memory_space<vmem>>) semaphore(%run_scoped3A_172 : memref<!tpu.dma_semaphore, #tpu.memory_space<semaphore_mem>>) {add = true}
      %dma_wait3A = arith.constant 0 : i32
      %dma_wait3A_177 = tpu.memref_slice %arg5[%run_scoped3A_47, %dma_wait3A] : memref<30x128xi32, #tpu.memory_space<vmem>> -> memref<1x128xi32, #tpu.memory_space<vmem>>
      %dma_wait3A_178 = tpu.memref_squeeze %dma_wait3A_177 : memref<1x128xi32, #tpu.memory_space<vmem>> -> memref<128xi32, #tpu.memory_space<vmem>>
      %dma_wait3A_179 = arith.constant 0 : i32
      %dma_wait3A_180 = tpu.memref_slice %arg12[%dma_wait3A_179] : memref<20480xi32, #tpu.memory_space<vmem_shared>> -> memref<20480xi32, #tpu.memory_space<vmem_shared>>
      tpu.wait_indirect_dma semaphore(%run_scoped3A_172 : memref<!tpu.dma_semaphore, #tpu.memory_space<semaphore_mem>>) src(%arg6 : memref<128xi32, #tpu.memory_space<vmem>>) dst(%dma_wait3A_180 : memref<20480xi32, #tpu.memory_space<vmem_shared>>)
      tpu.yield
    }) : () -> ()
    %run_scoped3A_48 = arith.constant 4 : i32
    "tpu.region"() ({
      %run_scoped3A_172 = tpu.sem_alloc : memref<!tpu.dma_semaphore, #tpu.memory_space<semaphore_mem>>
      %dma_start3A = arith.constant 0 : i32
      %dma_start3A_173 = tpu.memref_slice %arg5[%run_scoped3A_48, %dma_start3A] : memref<30x128xi32, #tpu.memory_space<vmem>> -> memref<1x128xi32, #tpu.memory_space<vmem>>
      %dma_start3A_174 = tpu.memref_squeeze %dma_start3A_173 : memref<1x128xi32, #tpu.memory_space<vmem>> -> memref<128xi32, #tpu.memory_space<vmem>>
      %dma_start3A_175 = arith.constant 0 : i32
      %dma_start3A_176 = tpu.memref_slice %arg12[%dma_start3A_175] : memref<20480xi32, #tpu.memory_space<vmem_shared>> -> memref<20480xi32, #tpu.memory_space<vmem_shared>>
      tpu.enqueue_indirect_dma source(%arg6 : memref<128xi32, #tpu.memory_space<vmem>>) target(%dma_start3A_176 : memref<20480xi32, #tpu.memory_space<vmem_shared>>) offsets(%dma_start3A_174 : memref<128xi32, #tpu.memory_space<vmem>>) semaphore(%run_scoped3A_172 : memref<!tpu.dma_semaphore, #tpu.memory_space<semaphore_mem>>) {add = true}
      %dma_wait3A = arith.constant 0 : i32
      %dma_wait3A_177 = tpu.memref_slice %arg5[%run_scoped3A_48, %dma_wait3A] : memref<30x128xi32, #tpu.memory_space<vmem>> -> memref<1x128xi32, #tpu.memory_space<vmem>>
      %dma_wait3A_178 = tpu.memref_squeeze %dma_wait3A_177 : memref<1x128xi32, #tpu.memory_space<vmem>> -> memref<128xi32, #tpu.memory_space<vmem>>
      %dma_wait3A_179 = arith.constant 0 : i32
      %dma_wait3A_180 = tpu.memref_slice %arg12[%dma_wait3A_179] : memref<20480xi32, #tpu.memory_space<vmem_shared>> -> memref<20480xi32, #tpu.memory_space<vmem_shared>>
      tpu.wait_indirect_dma semaphore(%run_scoped3A_172 : memref<!tpu.dma_semaphore, #tpu.memory_space<semaphore_mem>>) src(%arg6 : memref<128xi32, #tpu.memory_space<vmem>>) dst(%dma_wait3A_180 : memref<20480xi32, #tpu.memory_space<vmem_shared>>)
      tpu.yield
    }) : () -> ()
    %run_scoped3A_49 = arith.constant 5 : i32
    "tpu.region"() ({
      %run_scoped3A_172 = tpu.sem_alloc : memref<!tpu.dma_semaphore, #tpu.memory_space<semaphore_mem>>
      %dma_start3A = arith.constant 0 : i32
      %dma_start3A_173 = tpu.memref_slice %arg5[%run_scoped3A_49, %dma_start3A] : memref<30x128xi32, #tpu.memory_space<vmem>> -> memref<1x128xi32, #tpu.memory_space<vmem>>
      %dma_start3A_174 = tpu.memref_squeeze %dma_start3A_173 : memref<1x128xi32, #tpu.memory_space<vmem>> -> memref<128xi32, #tpu.memory_space<vmem>>
      %dma_start3A_175 = arith.constant 0 : i32
      %dma_start3A_176 = tpu.memref_slice %arg12[%dma_start3A_175] : memref<20480xi32, #tpu.memory_space<vmem_shared>> -> memref<20480xi32, #tpu.memory_space<vmem_shared>>
      tpu.enqueue_indirect_dma source(%arg6 : memref<128xi32, #tpu.memory_space<vmem>>) target(%dma_start3A_176 : memref<20480xi32, #tpu.memory_space<vmem_shared>>) offsets(%dma_start3A_174 : memref<128xi32, #tpu.memory_space<vmem>>) semaphore(%run_scoped3A_172 : memref<!tpu.dma_semaphore, #tpu.memory_space<semaphore_mem>>) {add = true}
      %dma_wait3A = arith.constant 0 : i32
      %dma_wait3A_177 = tpu.memref_slice %arg5[%run_scoped3A_49, %dma_wait3A] : memref<30x128xi32, #tpu.memory_space<vmem>> -> memref<1x128xi32, #tpu.memory_space<vmem>>
      %dma_wait3A_178 = tpu.memref_squeeze %dma_wait3A_177 : memref<1x128xi32, #tpu.memory_space<vmem>> -> memref<128xi32, #tpu.memory_space<vmem>>
      %dma_wait3A_179 = arith.constant 0 : i32
      %dma_wait3A_180 = tpu.memref_slice %arg12[%dma_wait3A_179] : memref<20480xi32, #tpu.memory_space<vmem_shared>> -> memref<20480xi32, #tpu.memory_space<vmem_shared>>
      tpu.wait_indirect_dma semaphore(%run_scoped3A_172 : memref<!tpu.dma_semaphore, #tpu.memory_space<semaphore_mem>>) src(%arg6 : memref<128xi32, #tpu.memory_space<vmem>>) dst(%dma_wait3A_180 : memref<20480xi32, #tpu.memory_space<vmem_shared>>)
      tpu.yield
    }) : () -> ()
    %run_scoped3A_50 = arith.constant 6 : i32
    "tpu.region"() ({
      %run_scoped3A_172 = tpu.sem_alloc : memref<!tpu.dma_semaphore, #tpu.memory_space<semaphore_mem>>
      %dma_start3A = arith.constant 0 : i32
      %dma_start3A_173 = tpu.memref_slice %arg5[%run_scoped3A_50, %dma_start3A] : memref<30x128xi32, #tpu.memory_space<vmem>> -> memref<1x128xi32, #tpu.memory_space<vmem>>
      %dma_start3A_174 = tpu.memref_squeeze %dma_start3A_173 : memref<1x128xi32, #tpu.memory_space<vmem>> -> memref<128xi32, #tpu.memory_space<vmem>>
      %dma_start3A_175 = arith.constant 0 : i32
      %dma_start3A_176 = tpu.memref_slice %arg12[%dma_start3A_175] : memref<20480xi32, #tpu.memory_space<vmem_shared>> -> memref<20480xi32, #tpu.memory_space<vmem_shared>>
      tpu.enqueue_indirect_dma source(%arg6 : memref<128xi32, #tpu.memory_space<vmem>>) target(%dma_start3A_176 : memref<20480xi32, #tpu.memory_space<vmem_shared>>) offsets(%dma_start3A_174 : memref<128xi32, #tpu.memory_space<vmem>>) semaphore(%run_scoped3A_172 : memref<!tpu.dma_semaphore, #tpu.memory_space<semaphore_mem>>) {add = true}
      %dma_wait3A = arith.constant 0 : i32
      %dma_wait3A_177 = tpu.memref_slice %arg5[%run_scoped3A_50, %dma_wait3A] : memref<30x128xi32, #tpu.memory_space<vmem>> -> memref<1x128xi32, #tpu.memory_space<vmem>>
      %dma_wait3A_178 = tpu.memref_squeeze %dma_wait3A_177 : memref<1x128xi32, #tpu.memory_space<vmem>> -> memref<128xi32, #tpu.memory_space<vmem>>
      %dma_wait3A_179 = arith.constant 0 : i32
      %dma_wait3A_180 = tpu.memref_slice %arg12[%dma_wait3A_179] : memref<20480xi32, #tpu.memory_space<vmem_shared>> -> memref<20480xi32, #tpu.memory_space<vmem_shared>>
      tpu.wait_indirect_dma semaphore(%run_scoped3A_172 : memref<!tpu.dma_semaphore, #tpu.memory_space<semaphore_mem>>) src(%arg6 : memref<128xi32, #tpu.memory_space<vmem>>) dst(%dma_wait3A_180 : memref<20480xi32, #tpu.memory_space<vmem_shared>>)
      tpu.yield
    }) : () -> ()
    %run_scoped3A_51 = arith.constant 7 : i32
    "tpu.region"() ({
      %run_scoped3A_172 = tpu.sem_alloc : memref<!tpu.dma_semaphore, #tpu.memory_space<semaphore_mem>>
      %dma_start3A = arith.constant 0 : i32
      %dma_start3A_173 = tpu.memref_slice %arg5[%run_scoped3A_51, %dma_start3A] : memref<30x128xi32, #tpu.memory_space<vmem>> -> memref<1x128xi32, #tpu.memory_space<vmem>>
      %dma_start3A_174 = tpu.memref_squeeze %dma_start3A_173 : memref<1x128xi32, #tpu.memory_space<vmem>> -> memref<128xi32, #tpu.memory_space<vmem>>
      %dma_start3A_175 = arith.constant 0 : i32
      %dma_start3A_176 = tpu.memref_slice %arg12[%dma_start3A_175] : memref<20480xi32, #tpu.memory_space<vmem_shared>> -> memref<20480xi32, #tpu.memory_space<vmem_shared>>
      tpu.enqueue_indirect_dma source(%arg6 : memref<128xi32, #tpu.memory_space<vmem>>) target(%dma_start3A_176 : memref<20480xi32, #tpu.memory_space<vmem_shared>>) offsets(%dma_start3A_174 : memref<128xi32, #tpu.memory_space<vmem>>) semaphore(%run_scoped3A_172 : memref<!tpu.dma_semaphore, #tpu.memory_space<semaphore_mem>>) {add = true}
      %dma_wait3A = arith.constant 0 : i32
      %dma_wait3A_177 = tpu.memref_slice %arg5[%run_scoped3A_51, %dma_wait3A] : memref<30x128xi32, #tpu.memory_space<vmem>> -> memref<1x128xi32, #tpu.memory_space<vmem>>
      %dma_wait3A_178 = tpu.memref_squeeze %dma_wait3A_177 : memref<1x128xi32, #tpu.memory_space<vmem>> -> memref<128xi32, #tpu.memory_space<vmem>>
      %dma_wait3A_179 = arith.constant 0 : i32
      %dma_wait3A_180 = tpu.memref_slice %arg12[%dma_wait3A_179] : memref<20480xi32, #tpu.memory_space<vmem_shared>> -> memref<20480xi32, #tpu.memory_space<vmem_shared>>
      tpu.wait_indirect_dma semaphore(%run_scoped3A_172 : memref<!tpu.dma_semaphore, #tpu.memory_space<semaphore_mem>>) src(%arg6 : memref<128xi32, #tpu.memory_space<vmem>>) dst(%dma_wait3A_180 : memref<20480xi32, #tpu.memory_space<vmem_shared>>)
      tpu.yield
    }) : () -> ()
    %run_scoped3A_52 = arith.constant 8 : i32
    "tpu.region"() ({
      %run_scoped3A_172 = tpu.sem_alloc : memref<!tpu.dma_semaphore, #tpu.memory_space<semaphore_mem>>
      %dma_start3A = arith.constant 0 : i32
      %dma_start3A_173 = tpu.memref_slice %arg5[%run_scoped3A_52, %dma_start3A] : memref<30x128xi32, #tpu.memory_space<vmem>> -> memref<1x128xi32, #tpu.memory_space<vmem>>
      %dma_start3A_174 = tpu.memref_squeeze %dma_start3A_173 : memref<1x128xi32, #tpu.memory_space<vmem>> -> memref<128xi32, #tpu.memory_space<vmem>>
      %dma_start3A_175 = arith.constant 0 : i32
      %dma_start3A_176 = tpu.memref_slice %arg12[%dma_start3A_175] : memref<20480xi32, #tpu.memory_space<vmem_shared>> -> memref<20480xi32, #tpu.memory_space<vmem_shared>>
      tpu.enqueue_indirect_dma source(%arg6 : memref<128xi32, #tpu.memory_space<vmem>>) target(%dma_start3A_176 : memref<20480xi32, #tpu.memory_space<vmem_shared>>) offsets(%dma_start3A_174 : memref<128xi32, #tpu.memory_space<vmem>>) semaphore(%run_scoped3A_172 : memref<!tpu.dma_semaphore, #tpu.memory_space<semaphore_mem>>) {add = true}
      %dma_wait3A = arith.constant 0 : i32
      %dma_wait3A_177 = tpu.memref_slice %arg5[%run_scoped3A_52, %dma_wait3A] : memref<30x128xi32, #tpu.memory_space<vmem>> -> memref<1x128xi32, #tpu.memory_space<vmem>>
      %dma_wait3A_178 = tpu.memref_squeeze %dma_wait3A_177 : memref<1x128xi32, #tpu.memory_space<vmem>> -> memref<128xi32, #tpu.memory_space<vmem>>
      %dma_wait3A_179 = arith.constant 0 : i32
      %dma_wait3A_180 = tpu.memref_slice %arg12[%dma_wait3A_179] : memref<20480xi32, #tpu.memory_space<vmem_shared>> -> memref<20480xi32, #tpu.memory_space<vmem_shared>>
      tpu.wait_indirect_dma semaphore(%run_scoped3A_172 : memref<!tpu.dma_semaphore, #tpu.memory_space<semaphore_mem>>) src(%arg6 : memref<128xi32, #tpu.memory_space<vmem>>) dst(%dma_wait3A_180 : memref<20480xi32, #tpu.memory_space<vmem_shared>>)
      tpu.yield
    }) : () -> ()
    %run_scoped3A_53 = arith.constant 9 : i32
    "tpu.region"() ({
      %run_scoped3A_172 = tpu.sem_alloc : memref<!tpu.dma_semaphore, #tpu.memory_space<semaphore_mem>>
      %dma_start3A = arith.constant 0 : i32
      %dma_start3A_173 = tpu.memref_slice %arg5[%run_scoped3A_53, %dma_start3A] : memref<30x128xi32, #tpu.memory_space<vmem>> -> memref<1x128xi32, #tpu.memory_space<vmem>>
      %dma_start3A_174 = tpu.memref_squeeze %dma_start3A_173 : memref<1x128xi32, #tpu.memory_space<vmem>> -> memref<128xi32, #tpu.memory_space<vmem>>
      %dma_start3A_175 = arith.constant 0 : i32
      %dma_start3A_176 = tpu.memref_slice %arg12[%dma_start3A_175] : memref<20480xi32, #tpu.memory_space<vmem_shared>> -> memref<20480xi32, #tpu.memory_space<vmem_shared>>
      tpu.enqueue_indirect_dma source(%arg6 : memref<128xi32, #tpu.memory_space<vmem>>) target(%dma_start3A_176 : memref<20480xi32, #tpu.memory_space<vmem_shared>>) offsets(%dma_start3A_174 : memref<128xi32, #tpu.memory_space<vmem>>) semaphore(%run_scoped3A_172 : memref<!tpu.dma_semaphore, #tpu.memory_space<semaphore_mem>>) {add = true}
      %dma_wait3A = arith.constant 0 : i32
      %dma_wait3A_177 = tpu.memref_slice %arg5[%run_scoped3A_53, %dma_wait3A] : memref<30x128xi32, #tpu.memory_space<vmem>> -> memref<1x128xi32, #tpu.memory_space<vmem>>
      %dma_wait3A_178 = tpu.memref_squeeze %dma_wait3A_177 : memref<1x128xi32, #tpu.memory_space<vmem>> -> memref<128xi32, #tpu.memory_space<vmem>>
      %dma_wait3A_179 = arith.constant 0 : i32
      %dma_wait3A_180 = tpu.memref_slice %arg12[%dma_wait3A_179] : memref<20480xi32, #tpu.memory_space<vmem_shared>> -> memref<20480xi32, #tpu.memory_space<vmem_shared>>
      tpu.wait_indirect_dma semaphore(%run_scoped3A_172 : memref<!tpu.dma_semaphore, #tpu.memory_space<semaphore_mem>>) src(%arg6 : memref<128xi32, #tpu.memory_space<vmem>>) dst(%dma_wait3A_180 : memref<20480xi32, #tpu.memory_space<vmem_shared>>)
      tpu.yield
    }) : () -> ()
    %run_scoped3A_54 = arith.constant 10 : i32
    "tpu.region"() ({
      %run_scoped3A_172 = tpu.sem_alloc : memref<!tpu.dma_semaphore, #tpu.memory_space<semaphore_mem>>
      %dma_start3A = arith.constant 0 : i32
      %dma_start3A_173 = tpu.memref_slice %arg5[%run_scoped3A_54, %dma_start3A] : memref<30x128xi32, #tpu.memory_space<vmem>> -> memref<1x128xi32, #tpu.memory_space<vmem>>
      %dma_start3A_174 = tpu.memref_squeeze %dma_start3A_173 : memref<1x128xi32, #tpu.memory_space<vmem>> -> memref<128xi32, #tpu.memory_space<vmem>>
      %dma_start3A_175 = arith.constant 0 : i32
      %dma_start3A_176 = tpu.memref_slice %arg12[%dma_start3A_175] : memref<20480xi32, #tpu.memory_space<vmem_shared>> -> memref<20480xi32, #tpu.memory_space<vmem_shared>>
      tpu.enqueue_indirect_dma source(%arg6 : memref<128xi32, #tpu.memory_space<vmem>>) target(%dma_start3A_176 : memref<20480xi32, #tpu.memory_space<vmem_shared>>) offsets(%dma_start3A_174 : memref<128xi32, #tpu.memory_space<vmem>>) semaphore(%run_scoped3A_172 : memref<!tpu.dma_semaphore, #tpu.memory_space<semaphore_mem>>) {add = true}
      %dma_wait3A = arith.constant 0 : i32
      %dma_wait3A_177 = tpu.memref_slice %arg5[%run_scoped3A_54, %dma_wait3A] : memref<30x128xi32, #tpu.memory_space<vmem>> -> memref<1x128xi32, #tpu.memory_space<vmem>>
      %dma_wait3A_178 = tpu.memref_squeeze %dma_wait3A_177 : memref<1x128xi32, #tpu.memory_space<vmem>> -> memref<128xi32, #tpu.memory_space<vmem>>
      %dma_wait3A_179 = arith.constant 0 : i32
      %dma_wait3A_180 = tpu.memref_slice %arg12[%dma_wait3A_179] : memref<20480xi32, #tpu.memory_space<vmem_shared>> -> memref<20480xi32, #tpu.memory_space<vmem_shared>>
      tpu.wait_indirect_dma semaphore(%run_scoped3A_172 : memref<!tpu.dma_semaphore, #tpu.memory_space<semaphore_mem>>) src(%arg6 : memref<128xi32, #tpu.memory_space<vmem>>) dst(%dma_wait3A_180 : memref<20480xi32, #tpu.memory_space<vmem_shared>>)
      tpu.yield
    }) : () -> ()
    %run_scoped3A_55 = arith.constant 11 : i32
    "tpu.region"() ({
      %run_scoped3A_172 = tpu.sem_alloc : memref<!tpu.dma_semaphore, #tpu.memory_space<semaphore_mem>>
      %dma_start3A = arith.constant 0 : i32
      %dma_start3A_173 = tpu.memref_slice %arg5[%run_scoped3A_55, %dma_start3A] : memref<30x128xi32, #tpu.memory_space<vmem>> -> memref<1x128xi32, #tpu.memory_space<vmem>>
      %dma_start3A_174 = tpu.memref_squeeze %dma_start3A_173 : memref<1x128xi32, #tpu.memory_space<vmem>> -> memref<128xi32, #tpu.memory_space<vmem>>
      %dma_start3A_175 = arith.constant 0 : i32
      %dma_start3A_176 = tpu.memref_slice %arg12[%dma_start3A_175] : memref<20480xi32, #tpu.memory_space<vmem_shared>> -> memref<20480xi32, #tpu.memory_space<vmem_shared>>
      tpu.enqueue_indirect_dma source(%arg6 : memref<128xi32, #tpu.memory_space<vmem>>) target(%dma_start3A_176 : memref<20480xi32, #tpu.memory_space<vmem_shared>>) offsets(%dma_start3A_174 : memref<128xi32, #tpu.memory_space<vmem>>) semaphore(%run_scoped3A_172 : memref<!tpu.dma_semaphore, #tpu.memory_space<semaphore_mem>>) {add = true}
      %dma_wait3A = arith.constant 0 : i32
      %dma_wait3A_177 = tpu.memref_slice %arg5[%run_scoped3A_55, %dma_wait3A] : memref<30x128xi32, #tpu.memory_space<vmem>> -> memref<1x128xi32, #tpu.memory_space<vmem>>
      %dma_wait3A_178 = tpu.memref_squeeze %dma_wait3A_177 : memref<1x128xi32, #tpu.memory_space<vmem>> -> memref<128xi32, #tpu.memory_space<vmem>>
      %dma_wait3A_179 = arith.constant 0 : i32
      %dma_wait3A_180 = tpu.memref_slice %arg12[%dma_wait3A_179] : memref<20480xi32, #tpu.memory_space<vmem_shared>> -> memref<20480xi32, #tpu.memory_space<vmem_shared>>
      tpu.wait_indirect_dma semaphore(%run_scoped3A_172 : memref<!tpu.dma_semaphore, #tpu.memory_space<semaphore_mem>>) src(%arg6 : memref<128xi32, #tpu.memory_space<vmem>>) dst(%dma_wait3A_180 : memref<20480xi32, #tpu.memory_space<vmem_shared>>)
      tpu.yield
    }) : () -> ()
    %run_scoped3A_56 = arith.constant 12 : i32
    "tpu.region"() ({
      %run_scoped3A_172 = tpu.sem_alloc : memref<!tpu.dma_semaphore, #tpu.memory_space<semaphore_mem>>
      %dma_start3A = arith.constant 0 : i32
      %dma_start3A_173 = tpu.memref_slice %arg5[%run_scoped3A_56, %dma_start3A] : memref<30x128xi32, #tpu.memory_space<vmem>> -> memref<1x128xi32, #tpu.memory_space<vmem>>
      %dma_start3A_174 = tpu.memref_squeeze %dma_start3A_173 : memref<1x128xi32, #tpu.memory_space<vmem>> -> memref<128xi32, #tpu.memory_space<vmem>>
      %dma_start3A_175 = arith.constant 0 : i32
      %dma_start3A_176 = tpu.memref_slice %arg12[%dma_start3A_175] : memref<20480xi32, #tpu.memory_space<vmem_shared>> -> memref<20480xi32, #tpu.memory_space<vmem_shared>>
      tpu.enqueue_indirect_dma source(%arg6 : memref<128xi32, #tpu.memory_space<vmem>>) target(%dma_start3A_176 : memref<20480xi32, #tpu.memory_space<vmem_shared>>) offsets(%dma_start3A_174 : memref<128xi32, #tpu.memory_space<vmem>>) semaphore(%run_scoped3A_172 : memref<!tpu.dma_semaphore, #tpu.memory_space<semaphore_mem>>) {add = true}
      %dma_wait3A = arith.constant 0 : i32
      %dma_wait3A_177 = tpu.memref_slice %arg5[%run_scoped3A_56, %dma_wait3A] : memref<30x128xi32, #tpu.memory_space<vmem>> -> memref<1x128xi32, #tpu.memory_space<vmem>>
      %dma_wait3A_178 = tpu.memref_squeeze %dma_wait3A_177 : memref<1x128xi32, #tpu.memory_space<vmem>> -> memref<128xi32, #tpu.memory_space<vmem>>
      %dma_wait3A_179 = arith.constant 0 : i32
      %dma_wait3A_180 = tpu.memref_slice %arg12[%dma_wait3A_179] : memref<20480xi32, #tpu.memory_space<vmem_shared>> -> memref<20480xi32, #tpu.memory_space<vmem_shared>>
      tpu.wait_indirect_dma semaphore(%run_scoped3A_172 : memref<!tpu.dma_semaphore, #tpu.memory_space<semaphore_mem>>) src(%arg6 : memref<128xi32, #tpu.memory_space<vmem>>) dst(%dma_wait3A_180 : memref<20480xi32, #tpu.memory_space<vmem_shared>>)
      tpu.yield
    }) : () -> ()
    %run_scoped3A_57 = arith.constant 13 : i32
    "tpu.region"() ({
      %run_scoped3A_172 = tpu.sem_alloc : memref<!tpu.dma_semaphore, #tpu.memory_space<semaphore_mem>>
      %dma_start3A = arith.constant 0 : i32
      %dma_start3A_173 = tpu.memref_slice %arg5[%run_scoped3A_57, %dma_start3A] : memref<30x128xi32, #tpu.memory_space<vmem>> -> memref<1x128xi32, #tpu.memory_space<vmem>>
      %dma_start3A_174 = tpu.memref_squeeze %dma_start3A_173 : memref<1x128xi32, #tpu.memory_space<vmem>> -> memref<128xi32, #tpu.memory_space<vmem>>
      %dma_start3A_175 = arith.constant 0 : i32
      %dma_start3A_176 = tpu.memref_slice %arg12[%dma_start3A_175] : memref<20480xi32, #tpu.memory_space<vmem_shared>> -> memref<20480xi32, #tpu.memory_space<vmem_shared>>
      tpu.enqueue_indirect_dma source(%arg6 : memref<128xi32, #tpu.memory_space<vmem>>) target(%dma_start3A_176 : memref<20480xi32, #tpu.memory_space<vmem_shared>>) offsets(%dma_start3A_174 : memref<128xi32, #tpu.memory_space<vmem>>) semaphore(%run_scoped3A_172 : memref<!tpu.dma_semaphore, #tpu.memory_space<semaphore_mem>>) {add = true}
      %dma_wait3A = arith.constant 0 : i32
      %dma_wait3A_177 = tpu.memref_slice %arg5[%run_scoped3A_57, %dma_wait3A] : memref<30x128xi32, #tpu.memory_space<vmem>> -> memref<1x128xi32, #tpu.memory_space<vmem>>
      %dma_wait3A_178 = tpu.memref_squeeze %dma_wait3A_177 : memref<1x128xi32, #tpu.memory_space<vmem>> -> memref<128xi32, #tpu.memory_space<vmem>>
      %dma_wait3A_179 = arith.constant 0 : i32
      %dma_wait3A_180 = tpu.memref_slice %arg12[%dma_wait3A_179] : memref<20480xi32, #tpu.memory_space<vmem_shared>> -> memref<20480xi32, #tpu.memory_space<vmem_shared>>
      tpu.wait_indirect_dma semaphore(%run_scoped3A_172 : memref<!tpu.dma_semaphore, #tpu.memory_space<semaphore_mem>>) src(%arg6 : memref<128xi32, #tpu.memory_space<vmem>>) dst(%dma_wait3A_180 : memref<20480xi32, #tpu.memory_space<vmem_shared>>)
      tpu.yield
    }) : () -> ()
    %run_scoped3A_58 = arith.constant 14 : i32
    "tpu.region"() ({
      %run_scoped3A_172 = tpu.sem_alloc : memref<!tpu.dma_semaphore, #tpu.memory_space<semaphore_mem>>
      %dma_start3A = arith.constant 0 : i32
      %dma_start3A_173 = tpu.memref_slice %arg5[%run_scoped3A_58, %dma_start3A] : memref<30x128xi32, #tpu.memory_space<vmem>> -> memref<1x128xi32, #tpu.memory_space<vmem>>
      %dma_start3A_174 = tpu.memref_squeeze %dma_start3A_173 : memref<1x128xi32, #tpu.memory_space<vmem>> -> memref<128xi32, #tpu.memory_space<vmem>>
      %dma_start3A_175 = arith.constant 0 : i32
      %dma_start3A_176 = tpu.memref_slice %arg12[%dma_start3A_175] : memref<20480xi32, #tpu.memory_space<vmem_shared>> -> memref<20480xi32, #tpu.memory_space<vmem_shared>>
      tpu.enqueue_indirect_dma source(%arg6 : memref<128xi32, #tpu.memory_space<vmem>>) target(%dma_start3A_176 : memref<20480xi32, #tpu.memory_space<vmem_shared>>) offsets(%dma_start3A_174 : memref<128xi32, #tpu.memory_space<vmem>>) semaphore(%run_scoped3A_172 : memref<!tpu.dma_semaphore, #tpu.memory_space<semaphore_mem>>) {add = true}
      %dma_wait3A = arith.constant 0 : i32
      %dma_wait3A_177 = tpu.memref_slice %arg5[%run_scoped3A_58, %dma_wait3A] : memref<30x128xi32, #tpu.memory_space<vmem>> -> memref<1x128xi32, #tpu.memory_space<vmem>>
      %dma_wait3A_178 = tpu.memref_squeeze %dma_wait3A_177 : memref<1x128xi32, #tpu.memory_space<vmem>> -> memref<128xi32, #tpu.memory_space<vmem>>
      %dma_wait3A_179 = arith.constant 0 : i32
      %dma_wait3A_180 = tpu.memref_slice %arg12[%dma_wait3A_179] : memref<20480xi32, #tpu.memory_space<vmem_shared>> -> memref<20480xi32, #tpu.memory_space<vmem_shared>>
      tpu.wait_indirect_dma semaphore(%run_scoped3A_172 : memref<!tpu.dma_semaphore, #tpu.memory_space<semaphore_mem>>) src(%arg6 : memref<128xi32, #tpu.memory_space<vmem>>) dst(%dma_wait3A_180 : memref<20480xi32, #tpu.memory_space<vmem_shared>>)
      tpu.yield
    }) : () -> ()
    %run_scoped3A_59 = arith.constant 15 : i32
    "tpu.region"() ({
      %run_scoped3A_172 = tpu.sem_alloc : memref<!tpu.dma_semaphore, #tpu.memory_space<semaphore_mem>>
      %dma_start3A = arith.constant 0 : i32
      %dma_start3A_173 = tpu.memref_slice %arg5[%run_scoped3A_59, %dma_start3A] : memref<30x128xi32, #tpu.memory_space<vmem>> -> memref<1x128xi32, #tpu.memory_space<vmem>>
      %dma_start3A_174 = tpu.memref_squeeze %dma_start3A_173 : memref<1x128xi32, #tpu.memory_space<vmem>> -> memref<128xi32, #tpu.memory_space<vmem>>
      %dma_start3A_175 = arith.constant 0 : i32
      %dma_start3A_176 = tpu.memref_slice %arg12[%dma_start3A_175] : memref<20480xi32, #tpu.memory_space<vmem_shared>> -> memref<20480xi32, #tpu.memory_space<vmem_shared>>
      tpu.enqueue_indirect_dma source(%arg6 : memref<128xi32, #tpu.memory_space<vmem>>) target(%dma_start3A_176 : memref<20480xi32, #tpu.memory_space<vmem_shared>>) offsets(%dma_start3A_174 : memref<128xi32, #tpu.memory_space<vmem>>) semaphore(%run_scoped3A_172 : memref<!tpu.dma_semaphore, #tpu.memory_space<semaphore_mem>>) {add = true}
      %dma_wait3A = arith.constant 0 : i32
      %dma_wait3A_177 = tpu.memref_slice %arg5[%run_scoped3A_59, %dma_wait3A] : memref<30x128xi32, #tpu.memory_space<vmem>> -> memref<1x128xi32, #tpu.memory_space<vmem>>
      %dma_wait3A_178 = tpu.memref_squeeze %dma_wait3A_177 : memref<1x128xi32, #tpu.memory_space<vmem>> -> memref<128xi32, #tpu.memory_space<vmem>>
      %dma_wait3A_179 = arith.constant 0 : i32
      %dma_wait3A_180 = tpu.memref_slice %arg12[%dma_wait3A_179] : memref<20480xi32, #tpu.memory_space<vmem_shared>> -> memref<20480xi32, #tpu.memory_space<vmem_shared>>
      tpu.wait_indirect_dma semaphore(%run_scoped3A_172 : memref<!tpu.dma_semaphore, #tpu.memory_space<semaphore_mem>>) src(%arg6 : memref<128xi32, #tpu.memory_space<vmem>>) dst(%dma_wait3A_180 : memref<20480xi32, #tpu.memory_space<vmem_shared>>)
      tpu.yield
    }) : () -> ()
    %run_scoped3A_60 = arith.constant 16 : i32
    "tpu.region"() ({
      %run_scoped3A_172 = tpu.sem_alloc : memref<!tpu.dma_semaphore, #tpu.memory_space<semaphore_mem>>
      %dma_start3A = arith.constant 0 : i32
      %dma_start3A_173 = tpu.memref_slice %arg5[%run_scoped3A_60, %dma_start3A] : memref<30x128xi32, #tpu.memory_space<vmem>> -> memref<1x128xi32, #tpu.memory_space<vmem>>
      %dma_start3A_174 = tpu.memref_squeeze %dma_start3A_173 : memref<1x128xi32, #tpu.memory_space<vmem>> -> memref<128xi32, #tpu.memory_space<vmem>>
      %dma_start3A_175 = arith.constant 0 : i32
      %dma_start3A_176 = tpu.memref_slice %arg12[%dma_start3A_175] : memref<20480xi32, #tpu.memory_space<vmem_shared>> -> memref<20480xi32, #tpu.memory_space<vmem_shared>>
      tpu.enqueue_indirect_dma source(%arg6 : memref<128xi32, #tpu.memory_space<vmem>>) target(%dma_start3A_176 : memref<20480xi32, #tpu.memory_space<vmem_shared>>) offsets(%dma_start3A_174 : memref<128xi32, #tpu.memory_space<vmem>>) semaphore(%run_scoped3A_172 : memref<!tpu.dma_semaphore, #tpu.memory_space<semaphore_mem>>) {add = true}
      %dma_wait3A = arith.constant 0 : i32
      %dma_wait3A_177 = tpu.memref_slice %arg5[%run_scoped3A_60, %dma_wait3A] : memref<30x128xi32, #tpu.memory_space<vmem>> -> memref<1x128xi32, #tpu.memory_space<vmem>>
      %dma_wait3A_178 = tpu.memref_squeeze %dma_wait3A_177 : memref<1x128xi32, #tpu.memory_space<vmem>> -> memref<128xi32, #tpu.memory_space<vmem>>
      %dma_wait3A_179 = arith.constant 0 : i32
      %dma_wait3A_180 = tpu.memref_slice %arg12[%dma_wait3A_179] : memref<20480xi32, #tpu.memory_space<vmem_shared>> -> memref<20480xi32, #tpu.memory_space<vmem_shared>>
      tpu.wait_indirect_dma semaphore(%run_scoped3A_172 : memref<!tpu.dma_semaphore, #tpu.memory_space<semaphore_mem>>) src(%arg6 : memref<128xi32, #tpu.memory_space<vmem>>) dst(%dma_wait3A_180 : memref<20480xi32, #tpu.memory_space<vmem_shared>>)
      tpu.yield
    }) : () -> ()
    %run_scoped3A_61 = arith.constant 17 : i32
    "tpu.region"() ({
      %run_scoped3A_172 = tpu.sem_alloc : memref<!tpu.dma_semaphore, #tpu.memory_space<semaphore_mem>>
      %dma_start3A = arith.constant 0 : i32
      %dma_start3A_173 = tpu.memref_slice %arg5[%run_scoped3A_61, %dma_start3A] : memref<30x128xi32, #tpu.memory_space<vmem>> -> memref<1x128xi32, #tpu.memory_space<vmem>>
      %dma_start3A_174 = tpu.memref_squeeze %dma_start3A_173 : memref<1x128xi32, #tpu.memory_space<vmem>> -> memref<128xi32, #tpu.memory_space<vmem>>
      %dma_start3A_175 = arith.constant 0 : i32
      %dma_start3A_176 = tpu.memref_slice %arg12[%dma_start3A_175] : memref<20480xi32, #tpu.memory_space<vmem_shared>> -> memref<20480xi32, #tpu.memory_space<vmem_shared>>
      tpu.enqueue_indirect_dma source(%arg6 : memref<128xi32, #tpu.memory_space<vmem>>) target(%dma_start3A_176 : memref<20480xi32, #tpu.memory_space<vmem_shared>>) offsets(%dma_start3A_174 : memref<128xi32, #tpu.memory_space<vmem>>) semaphore(%run_scoped3A_172 : memref<!tpu.dma_semaphore, #tpu.memory_space<semaphore_mem>>) {add = true}
      %dma_wait3A = arith.constant 0 : i32
      %dma_wait3A_177 = tpu.memref_slice %arg5[%run_scoped3A_61, %dma_wait3A] : memref<30x128xi32, #tpu.memory_space<vmem>> -> memref<1x128xi32, #tpu.memory_space<vmem>>
      %dma_wait3A_178 = tpu.memref_squeeze %dma_wait3A_177 : memref<1x128xi32, #tpu.memory_space<vmem>> -> memref<128xi32, #tpu.memory_space<vmem>>
      %dma_wait3A_179 = arith.constant 0 : i32
      %dma_wait3A_180 = tpu.memref_slice %arg12[%dma_wait3A_179] : memref<20480xi32, #tpu.memory_space<vmem_shared>> -> memref<20480xi32, #tpu.memory_space<vmem_shared>>
      tpu.wait_indirect_dma semaphore(%run_scoped3A_172 : memref<!tpu.dma_semaphore, #tpu.memory_space<semaphore_mem>>) src(%arg6 : memref<128xi32, #tpu.memory_space<vmem>>) dst(%dma_wait3A_180 : memref<20480xi32, #tpu.memory_space<vmem_shared>>)
      tpu.yield
    }) : () -> ()
    %run_scoped3A_62 = arith.constant 18 : i32
    "tpu.region"() ({
      %run_scoped3A_172 = tpu.sem_alloc : memref<!tpu.dma_semaphore, #tpu.memory_space<semaphore_mem>>
      %dma_start3A = arith.constant 0 : i32
      %dma_start3A_173 = tpu.memref_slice %arg5[%run_scoped3A_62, %dma_start3A] : memref<30x128xi32, #tpu.memory_space<vmem>> -> memref<1x128xi32, #tpu.memory_space<vmem>>
      %dma_start3A_174 = tpu.memref_squeeze %dma_start3A_173 : memref<1x128xi32, #tpu.memory_space<vmem>> -> memref<128xi32, #tpu.memory_space<vmem>>
      %dma_start3A_175 = arith.constant 0 : i32
      %dma_start3A_176 = tpu.memref_slice %arg12[%dma_start3A_175] : memref<20480xi32, #tpu.memory_space<vmem_shared>> -> memref<20480xi32, #tpu.memory_space<vmem_shared>>
      tpu.enqueue_indirect_dma source(%arg6 : memref<128xi32, #tpu.memory_space<vmem>>) target(%dma_start3A_176 : memref<20480xi32, #tpu.memory_space<vmem_shared>>) offsets(%dma_start3A_174 : memref<128xi32, #tpu.memory_space<vmem>>) semaphore(%run_scoped3A_172 : memref<!tpu.dma_semaphore, #tpu.memory_space<semaphore_mem>>) {add = true}
      %dma_wait3A = arith.constant 0 : i32
      %dma_wait3A_177 = tpu.memref_slice %arg5[%run_scoped3A_62, %dma_wait3A] : memref<30x128xi32, #tpu.memory_space<vmem>> -> memref<1x128xi32, #tpu.memory_space<vmem>>
      %dma_wait3A_178 = tpu.memref_squeeze %dma_wait3A_177 : memref<1x128xi32, #tpu.memory_space<vmem>> -> memref<128xi32, #tpu.memory_space<vmem>>
      %dma_wait3A_179 = arith.constant 0 : i32
      %dma_wait3A_180 = tpu.memref_slice %arg12[%dma_wait3A_179] : memref<20480xi32, #tpu.memory_space<vmem_shared>> -> memref<20480xi32, #tpu.memory_space<vmem_shared>>
      tpu.wait_indirect_dma semaphore(%run_scoped3A_172 : memref<!tpu.dma_semaphore, #tpu.memory_space<semaphore_mem>>) src(%arg6 : memref<128xi32, #tpu.memory_space<vmem>>) dst(%dma_wait3A_180 : memref<20480xi32, #tpu.memory_space<vmem_shared>>)
      tpu.yield
    }) : () -> ()
    %run_scoped3A_63 = arith.constant 19 : i32
    "tpu.region"() ({
      %run_scoped3A_172 = tpu.sem_alloc : memref<!tpu.dma_semaphore, #tpu.memory_space<semaphore_mem>>
      %dma_start3A = arith.constant 0 : i32
      %dma_start3A_173 = tpu.memref_slice %arg5[%run_scoped3A_63, %dma_start3A] : memref<30x128xi32, #tpu.memory_space<vmem>> -> memref<1x128xi32, #tpu.memory_space<vmem>>
      %dma_start3A_174 = tpu.memref_squeeze %dma_start3A_173 : memref<1x128xi32, #tpu.memory_space<vmem>> -> memref<128xi32, #tpu.memory_space<vmem>>
      %dma_start3A_175 = arith.constant 0 : i32
      %dma_start3A_176 = tpu.memref_slice %arg12[%dma_start3A_175] : memref<20480xi32, #tpu.memory_space<vmem_shared>> -> memref<20480xi32, #tpu.memory_space<vmem_shared>>
      tpu.enqueue_indirect_dma source(%arg6 : memref<128xi32, #tpu.memory_space<vmem>>) target(%dma_start3A_176 : memref<20480xi32, #tpu.memory_space<vmem_shared>>) offsets(%dma_start3A_174 : memref<128xi32, #tpu.memory_space<vmem>>) semaphore(%run_scoped3A_172 : memref<!tpu.dma_semaphore, #tpu.memory_space<semaphore_mem>>) {add = true}
      %dma_wait3A = arith.constant 0 : i32
      %dma_wait3A_177 = tpu.memref_slice %arg5[%run_scoped3A_63, %dma_wait3A] : memref<30x128xi32, #tpu.memory_space<vmem>> -> memref<1x128xi32, #tpu.memory_space<vmem>>
      %dma_wait3A_178 = tpu.memref_squeeze %dma_wait3A_177 : memref<1x128xi32, #tpu.memory_space<vmem>> -> memref<128xi32, #tpu.memory_space<vmem>>
      %dma_wait3A_179 = arith.constant 0 : i32
      %dma_wait3A_180 = tpu.memref_slice %arg12[%dma_wait3A_179] : memref<20480xi32, #tpu.memory_space<vmem_shared>> -> memref<20480xi32, #tpu.memory_space<vmem_shared>>
      tpu.wait_indirect_dma semaphore(%run_scoped3A_172 : memref<!tpu.dma_semaphore, #tpu.memory_space<semaphore_mem>>) src(%arg6 : memref<128xi32, #tpu.memory_space<vmem>>) dst(%dma_wait3A_180 : memref<20480xi32, #tpu.memory_space<vmem_shared>>)
      tpu.yield
    }) : () -> ()
    %run_scoped3A_64 = arith.constant 20 : i32
    "tpu.region"() ({
      %run_scoped3A_172 = tpu.sem_alloc : memref<!tpu.dma_semaphore, #tpu.memory_space<semaphore_mem>>
      %dma_start3A = arith.constant 0 : i32
      %dma_start3A_173 = tpu.memref_slice %arg5[%run_scoped3A_64, %dma_start3A] : memref<30x128xi32, #tpu.memory_space<vmem>> -> memref<1x128xi32, #tpu.memory_space<vmem>>
      %dma_start3A_174 = tpu.memref_squeeze %dma_start3A_173 : memref<1x128xi32, #tpu.memory_space<vmem>> -> memref<128xi32, #tpu.memory_space<vmem>>
      %dma_start3A_175 = arith.constant 0 : i32
      %dma_start3A_176 = tpu.memref_slice %arg12[%dma_start3A_175] : memref<20480xi32, #tpu.memory_space<vmem_shared>> -> memref<20480xi32, #tpu.memory_space<vmem_shared>>
      tpu.enqueue_indirect_dma source(%arg6 : memref<128xi32, #tpu.memory_space<vmem>>) target(%dma_start3A_176 : memref<20480xi32, #tpu.memory_space<vmem_shared>>) offsets(%dma_start3A_174 : memref<128xi32, #tpu.memory_space<vmem>>) semaphore(%run_scoped3A_172 : memref<!tpu.dma_semaphore, #tpu.memory_space<semaphore_mem>>) {add = true}
      %dma_wait3A = arith.constant 0 : i32
      %dma_wait3A_177 = tpu.memref_slice %arg5[%run_scoped3A_64, %dma_wait3A] : memref<30x128xi32, #tpu.memory_space<vmem>> -> memref<1x128xi32, #tpu.memory_space<vmem>>
      %dma_wait3A_178 = tpu.memref_squeeze %dma_wait3A_177 : memref<1x128xi32, #tpu.memory_space<vmem>> -> memref<128xi32, #tpu.memory_space<vmem>>
      %dma_wait3A_179 = arith.constant 0 : i32
      %dma_wait3A_180 = tpu.memref_slice %arg12[%dma_wait3A_179] : memref<20480xi32, #tpu.memory_space<vmem_shared>> -> memref<20480xi32, #tpu.memory_space<vmem_shared>>
      tpu.wait_indirect_dma semaphore(%run_scoped3A_172 : memref<!tpu.dma_semaphore, #tpu.memory_space<semaphore_mem>>) src(%arg6 : memref<128xi32, #tpu.memory_space<vmem>>) dst(%dma_wait3A_180 : memref<20480xi32, #tpu.memory_space<vmem_shared>>)
      tpu.yield
    }) : () -> ()
    %run_scoped3A_65 = arith.constant 21 : i32
    "tpu.region"() ({
      %run_scoped3A_172 = tpu.sem_alloc : memref<!tpu.dma_semaphore, #tpu.memory_space<semaphore_mem>>
      %dma_start3A = arith.constant 0 : i32
      %dma_start3A_173 = tpu.memref_slice %arg5[%run_scoped3A_65, %dma_start3A] : memref<30x128xi32, #tpu.memory_space<vmem>> -> memref<1x128xi32, #tpu.memory_space<vmem>>
      %dma_start3A_174 = tpu.memref_squeeze %dma_start3A_173 : memref<1x128xi32, #tpu.memory_space<vmem>> -> memref<128xi32, #tpu.memory_space<vmem>>
      %dma_start3A_175 = arith.constant 0 : i32
      %dma_start3A_176 = tpu.memref_slice %arg12[%dma_start3A_175] : memref<20480xi32, #tpu.memory_space<vmem_shared>> -> memref<20480xi32, #tpu.memory_space<vmem_shared>>
      tpu.enqueue_indirect_dma source(%arg6 : memref<128xi32, #tpu.memory_space<vmem>>) target(%dma_start3A_176 : memref<20480xi32, #tpu.memory_space<vmem_shared>>) offsets(%dma_start3A_174 : memref<128xi32, #tpu.memory_space<vmem>>) semaphore(%run_scoped3A_172 : memref<!tpu.dma_semaphore, #tpu.memory_space<semaphore_mem>>) {add = true}
      %dma_wait3A = arith.constant 0 : i32
      %dma_wait3A_177 = tpu.memref_slice %arg5[%run_scoped3A_65, %dma_wait3A] : memref<30x128xi32, #tpu.memory_space<vmem>> -> memref<1x128xi32, #tpu.memory_space<vmem>>
      %dma_wait3A_178 = tpu.memref_squeeze %dma_wait3A_177 : memref<1x128xi32, #tpu.memory_space<vmem>> -> memref<128xi32, #tpu.memory_space<vmem>>
      %dma_wait3A_179 = arith.constant 0 : i32
      %dma_wait3A_180 = tpu.memref_slice %arg12[%dma_wait3A_179] : memref<20480xi32, #tpu.memory_space<vmem_shared>> -> memref<20480xi32, #tpu.memory_space<vmem_shared>>
      tpu.wait_indirect_dma semaphore(%run_scoped3A_172 : memref<!tpu.dma_semaphore, #tpu.memory_space<semaphore_mem>>) src(%arg6 : memref<128xi32, #tpu.memory_space<vmem>>) dst(%dma_wait3A_180 : memref<20480xi32, #tpu.memory_space<vmem_shared>>)
      tpu.yield
    }) : () -> ()
    %run_scoped3A_66 = arith.constant 22 : i32
    "tpu.region"() ({
      %run_scoped3A_172 = tpu.sem_alloc : memref<!tpu.dma_semaphore, #tpu.memory_space<semaphore_mem>>
      %dma_start3A = arith.constant 0 : i32
      %dma_start3A_173 = tpu.memref_slice %arg5[%run_scoped3A_66, %dma_start3A] : memref<30x128xi32, #tpu.memory_space<vmem>> -> memref<1x128xi32, #tpu.memory_space<vmem>>
      %dma_start3A_174 = tpu.memref_squeeze %dma_start3A_173 : memref<1x128xi32, #tpu.memory_space<vmem>> -> memref<128xi32, #tpu.memory_space<vmem>>
      %dma_start3A_175 = arith.constant 0 : i32
      %dma_start3A_176 = tpu.memref_slice %arg12[%dma_start3A_175] : memref<20480xi32, #tpu.memory_space<vmem_shared>> -> memref<20480xi32, #tpu.memory_space<vmem_shared>>
      tpu.enqueue_indirect_dma source(%arg6 : memref<128xi32, #tpu.memory_space<vmem>>) target(%dma_start3A_176 : memref<20480xi32, #tpu.memory_space<vmem_shared>>) offsets(%dma_start3A_174 : memref<128xi32, #tpu.memory_space<vmem>>) semaphore(%run_scoped3A_172 : memref<!tpu.dma_semaphore, #tpu.memory_space<semaphore_mem>>) {add = true}
      %dma_wait3A = arith.constant 0 : i32
      %dma_wait3A_177 = tpu.memref_slice %arg5[%run_scoped3A_66, %dma_wait3A] : memref<30x128xi32, #tpu.memory_space<vmem>> -> memref<1x128xi32, #tpu.memory_space<vmem>>
      %dma_wait3A_178 = tpu.memref_squeeze %dma_wait3A_177 : memref<1x128xi32, #tpu.memory_space<vmem>> -> memref<128xi32, #tpu.memory_space<vmem>>
      %dma_wait3A_179 = arith.constant 0 : i32
      %dma_wait3A_180 = tpu.memref_slice %arg12[%dma_wait3A_179] : memref<20480xi32, #tpu.memory_space<vmem_shared>> -> memref<20480xi32, #tpu.memory_space<vmem_shared>>
      tpu.wait_indirect_dma semaphore(%run_scoped3A_172 : memref<!tpu.dma_semaphore, #tpu.memory_space<semaphore_mem>>) src(%arg6 : memref<128xi32, #tpu.memory_space<vmem>>) dst(%dma_wait3A_180 : memref<20480xi32, #tpu.memory_space<vmem_shared>>)
      tpu.yield
    }) : () -> ()
    %run_scoped3A_67 = arith.constant 23 : i32
    "tpu.region"() ({
      %run_scoped3A_172 = tpu.sem_alloc : memref<!tpu.dma_semaphore, #tpu.memory_space<semaphore_mem>>
      %dma_start3A = arith.constant 0 : i32
      %dma_start3A_173 = tpu.memref_slice %arg5[%run_scoped3A_67, %dma_start3A] : memref<30x128xi32, #tpu.memory_space<vmem>> -> memref<1x128xi32, #tpu.memory_space<vmem>>
      %dma_start3A_174 = tpu.memref_squeeze %dma_start3A_173 : memref<1x128xi32, #tpu.memory_space<vmem>> -> memref<128xi32, #tpu.memory_space<vmem>>
      %dma_start3A_175 = arith.constant 0 : i32
      %dma_start3A_176 = tpu.memref_slice %arg12[%dma_start3A_175] : memref<20480xi32, #tpu.memory_space<vmem_shared>> -> memref<20480xi32, #tpu.memory_space<vmem_shared>>
      tpu.enqueue_indirect_dma source(%arg6 : memref<128xi32, #tpu.memory_space<vmem>>) target(%dma_start3A_176 : memref<20480xi32, #tpu.memory_space<vmem_shared>>) offsets(%dma_start3A_174 : memref<128xi32, #tpu.memory_space<vmem>>) semaphore(%run_scoped3A_172 : memref<!tpu.dma_semaphore, #tpu.memory_space<semaphore_mem>>) {add = true}
      %dma_wait3A = arith.constant 0 : i32
      %dma_wait3A_177 = tpu.memref_slice %arg5[%run_scoped3A_67, %dma_wait3A] : memref<30x128xi32, #tpu.memory_space<vmem>> -> memref<1x128xi32, #tpu.memory_space<vmem>>
      %dma_wait3A_178 = tpu.memref_squeeze %dma_wait3A_177 : memref<1x128xi32, #tpu.memory_space<vmem>> -> memref<128xi32, #tpu.memory_space<vmem>>
      %dma_wait3A_179 = arith.constant 0 : i32
      %dma_wait3A_180 = tpu.memref_slice %arg12[%dma_wait3A_179] : memref<20480xi32, #tpu.memory_space<vmem_shared>> -> memref<20480xi32, #tpu.memory_space<vmem_shared>>
      tpu.wait_indirect_dma semaphore(%run_scoped3A_172 : memref<!tpu.dma_semaphore, #tpu.memory_space<semaphore_mem>>) src(%arg6 : memref<128xi32, #tpu.memory_space<vmem>>) dst(%dma_wait3A_180 : memref<20480xi32, #tpu.memory_space<vmem_shared>>)
      tpu.yield
    }) : () -> ()
    %run_scoped3A_68 = arith.constant 24 : i32
    "tpu.region"() ({
      %run_scoped3A_172 = tpu.sem_alloc : memref<!tpu.dma_semaphore, #tpu.memory_space<semaphore_mem>>
      %dma_start3A = arith.constant 0 : i32
      %dma_start3A_173 = tpu.memref_slice %arg5[%run_scoped3A_68, %dma_start3A] : memref<30x128xi32, #tpu.memory_space<vmem>> -> memref<1x128xi32, #tpu.memory_space<vmem>>
      %dma_start3A_174 = tpu.memref_squeeze %dma_start3A_173 : memref<1x128xi32, #tpu.memory_space<vmem>> -> memref<128xi32, #tpu.memory_space<vmem>>
      %dma_start3A_175 = arith.constant 0 : i32
      %dma_start3A_176 = tpu.memref_slice %arg12[%dma_start3A_175] : memref<20480xi32, #tpu.memory_space<vmem_shared>> -> memref<20480xi32, #tpu.memory_space<vmem_shared>>
      tpu.enqueue_indirect_dma source(%arg6 : memref<128xi32, #tpu.memory_space<vmem>>) target(%dma_start3A_176 : memref<20480xi32, #tpu.memory_space<vmem_shared>>) offsets(%dma_start3A_174 : memref<128xi32, #tpu.memory_space<vmem>>) semaphore(%run_scoped3A_172 : memref<!tpu.dma_semaphore, #tpu.memory_space<semaphore_mem>>) {add = true}
      %dma_wait3A = arith.constant 0 : i32
      %dma_wait3A_177 = tpu.memref_slice %arg5[%run_scoped3A_68, %dma_wait3A] : memref<30x128xi32, #tpu.memory_space<vmem>> -> memref<1x128xi32, #tpu.memory_space<vmem>>
      %dma_wait3A_178 = tpu.memref_squeeze %dma_wait3A_177 : memref<1x128xi32, #tpu.memory_space<vmem>> -> memref<128xi32, #tpu.memory_space<vmem>>
      %dma_wait3A_179 = arith.constant 0 : i32
      %dma_wait3A_180 = tpu.memref_slice %arg12[%dma_wait3A_179] : memref<20480xi32, #tpu.memory_space<vmem_shared>> -> memref<20480xi32, #tpu.memory_space<vmem_shared>>
      tpu.wait_indirect_dma semaphore(%run_scoped3A_172 : memref<!tpu.dma_semaphore, #tpu.memory_space<semaphore_mem>>) src(%arg6 : memref<128xi32, #tpu.memory_space<vmem>>) dst(%dma_wait3A_180 : memref<20480xi32, #tpu.memory_space<vmem_shared>>)
      tpu.yield
    }) : () -> ()
    %run_scoped3A_69 = arith.constant 25 : i32
    "tpu.region"() ({
      %run_scoped3A_172 = tpu.sem_alloc : memref<!tpu.dma_semaphore, #tpu.memory_space<semaphore_mem>>
      %dma_start3A = arith.constant 0 : i32
      %dma_start3A_173 = tpu.memref_slice %arg5[%run_scoped3A_69, %dma_start3A] : memref<30x128xi32, #tpu.memory_space<vmem>> -> memref<1x128xi32, #tpu.memory_space<vmem>>
      %dma_start3A_174 = tpu.memref_squeeze %dma_start3A_173 : memref<1x128xi32, #tpu.memory_space<vmem>> -> memref<128xi32, #tpu.memory_space<vmem>>
      %dma_start3A_175 = arith.constant 0 : i32
      %dma_start3A_176 = tpu.memref_slice %arg12[%dma_start3A_175] : memref<20480xi32, #tpu.memory_space<vmem_shared>> -> memref<20480xi32, #tpu.memory_space<vmem_shared>>
      tpu.enqueue_indirect_dma source(%arg6 : memref<128xi32, #tpu.memory_space<vmem>>) target(%dma_start3A_176 : memref<20480xi32, #tpu.memory_space<vmem_shared>>) offsets(%dma_start3A_174 : memref<128xi32, #tpu.memory_space<vmem>>) semaphore(%run_scoped3A_172 : memref<!tpu.dma_semaphore, #tpu.memory_space<semaphore_mem>>) {add = true}
      %dma_wait3A = arith.constant 0 : i32
      %dma_wait3A_177 = tpu.memref_slice %arg5[%run_scoped3A_69, %dma_wait3A] : memref<30x128xi32, #tpu.memory_space<vmem>> -> memref<1x128xi32, #tpu.memory_space<vmem>>
      %dma_wait3A_178 = tpu.memref_squeeze %dma_wait3A_177 : memref<1x128xi32, #tpu.memory_space<vmem>> -> memref<128xi32, #tpu.memory_space<vmem>>
      %dma_wait3A_179 = arith.constant 0 : i32
      %dma_wait3A_180 = tpu.memref_slice %arg12[%dma_wait3A_179] : memref<20480xi32, #tpu.memory_space<vmem_shared>> -> memref<20480xi32, #tpu.memory_space<vmem_shared>>
      tpu.wait_indirect_dma semaphore(%run_scoped3A_172 : memref<!tpu.dma_semaphore, #tpu.memory_space<semaphore_mem>>) src(%arg6 : memref<128xi32, #tpu.memory_space<vmem>>) dst(%dma_wait3A_180 : memref<20480xi32, #tpu.memory_space<vmem_shared>>)
      tpu.yield
    }) : () -> ()
    %run_scoped3A_70 = arith.constant 26 : i32
    "tpu.region"() ({
      %run_scoped3A_172 = tpu.sem_alloc : memref<!tpu.dma_semaphore, #tpu.memory_space<semaphore_mem>>
      %dma_start3A = arith.constant 0 : i32
      %dma_start3A_173 = tpu.memref_slice %arg5[%run_scoped3A_70, %dma_start3A] : memref<30x128xi32, #tpu.memory_space<vmem>> -> memref<1x128xi32, #tpu.memory_space<vmem>>
      %dma_start3A_174 = tpu.memref_squeeze %dma_start3A_173 : memref<1x128xi32, #tpu.memory_space<vmem>> -> memref<128xi32, #tpu.memory_space<vmem>>
      %dma_start3A_175 = arith.constant 0 : i32
      %dma_start3A_176 = tpu.memref_slice %arg12[%dma_start3A_175] : memref<20480xi32, #tpu.memory_space<vmem_shared>> -> memref<20480xi32, #tpu.memory_space<vmem_shared>>
      tpu.enqueue_indirect_dma source(%arg6 : memref<128xi32, #tpu.memory_space<vmem>>) target(%dma_start3A_176 : memref<20480xi32, #tpu.memory_space<vmem_shared>>) offsets(%dma_start3A_174 : memref<128xi32, #tpu.memory_space<vmem>>) semaphore(%run_scoped3A_172 : memref<!tpu.dma_semaphore, #tpu.memory_space<semaphore_mem>>) {add = true}
      %dma_wait3A = arith.constant 0 : i32
      %dma_wait3A_177 = tpu.memref_slice %arg5[%run_scoped3A_70, %dma_wait3A] : memref<30x128xi32, #tpu.memory_space<vmem>> -> memref<1x128xi32, #tpu.memory_space<vmem>>
      %dma_wait3A_178 = tpu.memref_squeeze %dma_wait3A_177 : memref<1x128xi32, #tpu.memory_space<vmem>> -> memref<128xi32, #tpu.memory_space<vmem>>
      %dma_wait3A_179 = arith.constant 0 : i32
      %dma_wait3A_180 = tpu.memref_slice %arg12[%dma_wait3A_179] : memref<20480xi32, #tpu.memory_space<vmem_shared>> -> memref<20480xi32, #tpu.memory_space<vmem_shared>>
      tpu.wait_indirect_dma semaphore(%run_scoped3A_172 : memref<!tpu.dma_semaphore, #tpu.memory_space<semaphore_mem>>) src(%arg6 : memref<128xi32, #tpu.memory_space<vmem>>) dst(%dma_wait3A_180 : memref<20480xi32, #tpu.memory_space<vmem_shared>>)
      tpu.yield
    }) : () -> ()
    %run_scoped3A_71 = arith.constant 27 : i32
    "tpu.region"() ({
      %run_scoped3A_172 = tpu.sem_alloc : memref<!tpu.dma_semaphore, #tpu.memory_space<semaphore_mem>>
      %dma_start3A = arith.constant 0 : i32
      %dma_start3A_173 = tpu.memref_slice %arg5[%run_scoped3A_71, %dma_start3A] : memref<30x128xi32, #tpu.memory_space<vmem>> -> memref<1x128xi32, #tpu.memory_space<vmem>>
      %dma_start3A_174 = tpu.memref_squeeze %dma_start3A_173 : memref<1x128xi32, #tpu.memory_space<vmem>> -> memref<128xi32, #tpu.memory_space<vmem>>
      %dma_start3A_175 = arith.constant 0 : i32
      %dma_start3A_176 = tpu.memref_slice %arg12[%dma_start3A_175] : memref<20480xi32, #tpu.memory_space<vmem_shared>> -> memref<20480xi32, #tpu.memory_space<vmem_shared>>
      tpu.enqueue_indirect_dma source(%arg6 : memref<128xi32, #tpu.memory_space<vmem>>) target(%dma_start3A_176 : memref<20480xi32, #tpu.memory_space<vmem_shared>>) offsets(%dma_start3A_174 : memref<128xi32, #tpu.memory_space<vmem>>) semaphore(%run_scoped3A_172 : memref<!tpu.dma_semaphore, #tpu.memory_space<semaphore_mem>>) {add = true}
      %dma_wait3A = arith.constant 0 : i32
      %dma_wait3A_177 = tpu.memref_slice %arg5[%run_scoped3A_71, %dma_wait3A] : memref<30x128xi32, #tpu.memory_space<vmem>> -> memref<1x128xi32, #tpu.memory_space<vmem>>
      %dma_wait3A_178 = tpu.memref_squeeze %dma_wait3A_177 : memref<1x128xi32, #tpu.memory_space<vmem>> -> memref<128xi32, #tpu.memory_space<vmem>>
      %dma_wait3A_179 = arith.constant 0 : i32
      %dma_wait3A_180 = tpu.memref_slice %arg12[%dma_wait3A_179] : memref<20480xi32, #tpu.memory_space<vmem_shared>> -> memref<20480xi32, #tpu.memory_space<vmem_shared>>
      tpu.wait_indirect_dma semaphore(%run_scoped3A_172 : memref<!tpu.dma_semaphore, #tpu.memory_space<semaphore_mem>>) src(%arg6 : memref<128xi32, #tpu.memory_space<vmem>>) dst(%dma_wait3A_180 : memref<20480xi32, #tpu.memory_space<vmem_shared>>)
      tpu.yield
    }) : () -> ()
    %run_scoped3A_72 = arith.constant 28 : i32
    "tpu.region"() ({
      %run_scoped3A_172 = tpu.sem_alloc : memref<!tpu.dma_semaphore, #tpu.memory_space<semaphore_mem>>
      %dma_start3A = arith.constant 0 : i32
      %dma_start3A_173 = tpu.memref_slice %arg5[%run_scoped3A_72, %dma_start3A] : memref<30x128xi32, #tpu.memory_space<vmem>> -> memref<1x128xi32, #tpu.memory_space<vmem>>
      %dma_start3A_174 = tpu.memref_squeeze %dma_start3A_173 : memref<1x128xi32, #tpu.memory_space<vmem>> -> memref<128xi32, #tpu.memory_space<vmem>>
      %dma_start3A_175 = arith.constant 0 : i32
      %dma_start3A_176 = tpu.memref_slice %arg12[%dma_start3A_175] : memref<20480xi32, #tpu.memory_space<vmem_shared>> -> memref<20480xi32, #tpu.memory_space<vmem_shared>>
      tpu.enqueue_indirect_dma source(%arg6 : memref<128xi32, #tpu.memory_space<vmem>>) target(%dma_start3A_176 : memref<20480xi32, #tpu.memory_space<vmem_shared>>) offsets(%dma_start3A_174 : memref<128xi32, #tpu.memory_space<vmem>>) semaphore(%run_scoped3A_172 : memref<!tpu.dma_semaphore, #tpu.memory_space<semaphore_mem>>) {add = true}
      %dma_wait3A = arith.constant 0 : i32
      %dma_wait3A_177 = tpu.memref_slice %arg5[%run_scoped3A_72, %dma_wait3A] : memref<30x128xi32, #tpu.memory_space<vmem>> -> memref<1x128xi32, #tpu.memory_space<vmem>>
      %dma_wait3A_178 = tpu.memref_squeeze %dma_wait3A_177 : memref<1x128xi32, #tpu.memory_space<vmem>> -> memref<128xi32, #tpu.memory_space<vmem>>
      %dma_wait3A_179 = arith.constant 0 : i32
      %dma_wait3A_180 = tpu.memref_slice %arg12[%dma_wait3A_179] : memref<20480xi32, #tpu.memory_space<vmem_shared>> -> memref<20480xi32, #tpu.memory_space<vmem_shared>>
      tpu.wait_indirect_dma semaphore(%run_scoped3A_172 : memref<!tpu.dma_semaphore, #tpu.memory_space<semaphore_mem>>) src(%arg6 : memref<128xi32, #tpu.memory_space<vmem>>) dst(%dma_wait3A_180 : memref<20480xi32, #tpu.memory_space<vmem_shared>>)
      tpu.yield
    }) : () -> ()
    %run_scoped3A_73 = arith.constant 29 : i32
    "tpu.region"() ({
      %run_scoped3A_172 = tpu.sem_alloc : memref<!tpu.dma_semaphore, #tpu.memory_space<semaphore_mem>>
      %dma_start3A = arith.constant 0 : i32
      %dma_start3A_173 = tpu.memref_slice %arg5[%run_scoped3A_73, %dma_start3A] : memref<30x128xi32, #tpu.memory_space<vmem>> -> memref<1x128xi32, #tpu.memory_space<vmem>>
      %dma_start3A_174 = tpu.memref_squeeze %dma_start3A_173 : memref<1x128xi32, #tpu.memory_space<vmem>> -> memref<128xi32, #tpu.memory_space<vmem>>
      %dma_start3A_175 = arith.constant 0 : i32
      %dma_start3A_176 = tpu.memref_slice %arg12[%dma_start3A_175] : memref<20480xi32, #tpu.memory_space<vmem_shared>> -> memref<20480xi32, #tpu.memory_space<vmem_shared>>
      tpu.enqueue_indirect_dma source(%arg6 : memref<128xi32, #tpu.memory_space<vmem>>) target(%dma_start3A_176 : memref<20480xi32, #tpu.memory_space<vmem_shared>>) offsets(%dma_start3A_174 : memref<128xi32, #tpu.memory_space<vmem>>) semaphore(%run_scoped3A_172 : memref<!tpu.dma_semaphore, #tpu.memory_space<semaphore_mem>>) {add = true}
      %dma_wait3A = arith.constant 0 : i32
      %dma_wait3A_177 = tpu.memref_slice %arg5[%run_scoped3A_73, %dma_wait3A] : memref<30x128xi32, #tpu.memory_space<vmem>> -> memref<1x128xi32, #tpu.memory_space<vmem>>
      %dma_wait3A_178 = tpu.memref_squeeze %dma_wait3A_177 : memref<1x128xi32, #tpu.memory_space<vmem>> -> memref<128xi32, #tpu.memory_space<vmem>>
      %dma_wait3A_179 = arith.constant 0 : i32
      %dma_wait3A_180 = tpu.memref_slice %arg12[%dma_wait3A_179] : memref<20480xi32, #tpu.memory_space<vmem_shared>> -> memref<20480xi32, #tpu.memory_space<vmem_shared>>
      tpu.wait_indirect_dma semaphore(%run_scoped3A_172 : memref<!tpu.dma_semaphore, #tpu.memory_space<semaphore_mem>>) src(%arg6 : memref<128xi32, #tpu.memory_space<vmem>>) dst(%dma_wait3A_180 : memref<20480xi32, #tpu.memory_space<vmem_shared>>)
      tpu.yield
    }) : () -> ()
    %barrier3A_74 = arith.constant 0 : index
    tpu.barrier barrier_id(%barrier3A_74)
    %mul3A_75 = arith.constant 1280 : i32
    %mul3A_76 = arith.muli %arg1, %mul3A_75 : i32
    %multiple_of3A_77 = tpu.assume_multiple %mul3A_76, 8 : i32
    "tpu.region"() ({
      %run_scoped3A_172 = tpu.sem_alloc : memref<!tpu.dma_semaphore, #tpu.memory_space<semaphore_mem>>
      %dma_start3A = tpu.memref_slice %arg12[%multiple_of3A_77] : memref<20480xi32, #tpu.memory_space<vmem_shared>> -> memref<1280xi32, #tpu.memory_space<vmem_shared>>
      %dma_start3A_173 = tpu.memref_slice %arg12[%multiple_of3A_77] : memref<20480xi32, #tpu.memory_space<vmem_shared>> -> memref<1280xi32, #tpu.memory_space<vmem_shared>>
      tpu.enqueue_dma source(%dma_start3A_173 : memref<1280xi32, #tpu.memory_space<vmem_shared>>) target(%arg7 : memref<1280xi32, #tpu.memory_space<vmem>>) target_semaphore(%run_scoped3A_172 : memref<!tpu.dma_semaphore, #tpu.memory_space<semaphore_mem>>)
      %dma_wait3A = tpu.memref_slice %arg12[%multiple_of3A_77] : memref<20480xi32, #tpu.memory_space<vmem_shared>> -> memref<1280xi32, #tpu.memory_space<vmem_shared>>
      %dma_wait3A_174 = tpu.memref_slice %arg12[%multiple_of3A_77] : memref<20480xi32, #tpu.memory_space<vmem_shared>> -> memref<1280xi32, #tpu.memory_space<vmem_shared>>
      tpu.wait_dma2 semaphore(%run_scoped3A_172 : memref<!tpu.dma_semaphore, #tpu.memory_space<semaphore_mem>>) src(%dma_wait3A_174 : memref<1280xi32, #tpu.memory_space<vmem_shared>>) dst(%arg7 : memref<1280xi32, #tpu.memory_space<vmem>>)
      tpu.yield
    }) : () -> ()
    "tpu.region"() ({
      %run_scoped3A_172 = tpu.sem_alloc : memref<!tpu.dma_semaphore, #tpu.memory_space<semaphore_mem>>
      %dma_start3A = arith.constant 0 : i32
      %dma_start3A_173 = tpu.memref_slice %arg3[%arg1, %dma_start3A] : memref<16x1280xi32, #tpu.memory_space<hbm>> -> memref<1x1280xi32, #tpu.memory_space<hbm>>
      %dma_start3A_174 = tpu.memref_squeeze %dma_start3A_173 : memref<1x1280xi32, #tpu.memory_space<hbm>> -> memref<1280xi32, #tpu.memory_space<hbm>>
      %dma_start3A_175 = arith.constant 0 : i32
      %dma_start3A_176 = tpu.memref_slice %arg3[%arg1, %dma_start3A_175] : memref<16x1280xi32, #tpu.memory_space<hbm>> -> memref<1x1280xi32, #tpu.memory_space<hbm>>
      %dma_start3A_177 = tpu.memref_squeeze %dma_start3A_176 : memref<1x1280xi32, #tpu.memory_space<hbm>> -> memref<1280xi32, #tpu.memory_space<hbm>>
      tpu.enqueue_dma source(%dma_start3A_177 : memref<1280xi32, #tpu.memory_space<hbm>>) target(%arg8 : memref<1280xi32, #tpu.memory_space<vmem>>) target_semaphore(%run_scoped3A_172 : memref<!tpu.dma_semaphore, #tpu.memory_space<semaphore_mem>>)
      %dma_wait3A = arith.constant 0 : i32
      %dma_wait3A_178 = tpu.memref_slice %arg3[%arg1, %dma_wait3A] : memref<16x1280xi32, #tpu.memory_space<hbm>> -> memref<1x1280xi32, #tpu.memory_space<hbm>>
      %dma_wait3A_179 = tpu.memref_squeeze %dma_wait3A_178 : memref<1x1280xi32, #tpu.memory_space<hbm>> -> memref<1280xi32, #tpu.memory_space<hbm>>
      %dma_wait3A_180 = arith.constant 0 : i32
      %dma_wait3A_181 = tpu.memref_slice %arg3[%arg1, %dma_wait3A_180] : memref<16x1280xi32, #tpu.memory_space<hbm>> -> memref<1x1280xi32, #tpu.memory_space<hbm>>
      %dma_wait3A_182 = tpu.memref_squeeze %dma_wait3A_181 : memref<1x1280xi32, #tpu.memory_space<hbm>> -> memref<1280xi32, #tpu.memory_space<hbm>>
      tpu.wait_dma2 semaphore(%run_scoped3A_172 : memref<!tpu.dma_semaphore, #tpu.memory_space<semaphore_mem>>) src(%dma_wait3A_182 : memref<1280xi32, #tpu.memory_space<hbm>>) dst(%arg8 : memref<1280xi32, #tpu.memory_space<vmem>>)
      tpu.yield
    }) : () -> ()
    %iota3A = tpu.iota {dimensions = array<i32: 0>} : vector<16xi32>
    %broadcast_in_dim3A_78 = arith.constant 0.000000e+00 : f32
    %broadcast_in_dim3A_79 = vector.broadcast %broadcast_in_dim3A_78 : f32 to vector<16xf32>
    %mul3A_80 = arith.constant 1280 : i32
    %mul3A_81 = arith.muli %arg1, %mul3A_80 : i32
    %scan3A_82 = arith.constant -1.000000e+00 : f32
    %scan3A_83 = arith.constant 0 : i32
    %scan3A_84 = arith.constant 80 : i32
    %scan3A_85 = arith.addi %scan3A_83, %scan3A_84 : i32
    %scan3A_86 = arith.constant 1 : i32
    %scan3A_87:9 = scf.for %scan3A_172 = %scan3A_83 to %scan3A_85 step %scan3A_86 iter_args(%scan3A_173 = %broadcast_in_dim3A_79, %scan3A_174 = %broadcast_in_dim3A_79, %scan3A_175 = %broadcast_in_dim3A_79, %scan3A_176 = %broadcast_in_dim3A_79, %scan3A_177 = %broadcast_in_dim3A_79, %scan3A_178 = %broadcast_in_dim3A_79, %scan3A_179 = %broadcast_in_dim3A_79, %scan3A_180 = %broadcast_in_dim3A_79, %scan3A_181 = %scan3A_82) -> (vector<16xf32>, vector<16xf32>, vector<16xf32>, vector<16xf32>, vector<16xf32>, vector<16xf32>, vector<16xf32>, vector<16xf32>, f32)  : i32 {
      %mul3A_182 = arith.constant 16 : i32
      %mul3A_183 = arith.muli %scan3A_172, %mul3A_182 : i32
      %multiple_of3A_184 = tpu.assume_multiple %mul3A_183, 8 : i32
      %get3A = arith.index_cast %multiple_of3A_184 : i32 to index
      %get3A_185 = tpu.vector_load %arg7[%get3A] {strides = array<i32>} : memref<1280xi32, #tpu.memory_space<vmem>>, vector<16xi32>,
      %get3A_186 = arith.index_cast %multiple_of3A_184 : i32 to index
      %get3A_187 = tpu.vector_load %arg8[%get3A_186] {strides = array<i32>} : memref<1280xi32, #tpu.memory_space<vmem>>, vector<16xi32>,
      %mul3A_188 = arith.constant 16 : i32
      %mul3A_189 = arith.muli %scan3A_172, %mul3A_188 : i32
      %add3A_190 = arith.addi %mul3A_81, %mul3A_189 : i32
      %add3A_191 = vector.broadcast %add3A_190 : i32 to vector<16xi32>
      %add3A_192 = arith.addi %add3A_191, %iota3A : vector<16xi32>
      %gt3A = arith.constant 0 : i32
      %gt3A_193 = vector.broadcast %gt3A : i32 to vector<16xi32>
      %gt3A_194 = arith.cmpi sgt, %get3A_185, %gt3A_193 : vector<16xi32>
      %lt3A = arith.constant 20000 : i32
      %lt3A_195 = vector.broadcast %lt3A : i32 to vector<16xi32>
      %lt3A_196 = arith.cmpi slt, %add3A_192, %lt3A_195 : vector<16xi32>
      %and3A_197 = arith.andi %gt3A_194, %lt3A_196 : vector<16xi1>
      %jit3A_198 = arith.constant 1.000000e+00 : f32
      %jit3A_199 = arith.constant 0.000000e+00 : f32
      %broadcast_in_dim3A_200 = vector.broadcast %jit3A_198 : f32 to vector<16xf32>
      %broadcast_in_dim3A_201 = vector.broadcast %jit3A_199 : f32 to vector<16xf32>
      %select_n3A_202 = arith.select %and3A_197, %broadcast_in_dim3A_200, %broadcast_in_dim3A_201 : vector<16xi1>, vector<16xf32>
      %eq3A_203 = arith.constant 0 : i32
      %eq3A_204 = vector.broadcast %eq3A_203 : i32 to vector<16xi32>
      %eq3A_205 = arith.cmpi eq, %get3A_187, %eq3A_204 : vector<16xi32>
      %jit3A_206 = arith.constant 0.000000e+00 : f32
      %broadcast_in_dim3A_207 = vector.broadcast %jit3A_206 : f32 to vector<16xf32>
      %select_n3A_208 = arith.select %eq3A_205, %select_n3A_202, %broadcast_in_dim3A_207 : vector<16xi1>, vector<16xf32>
      %add3A_209 = arith.addf %scan3A_173, %select_n3A_208 : vector<16xf32>
      %eq3A_210 = arith.constant 1 : i32
      %eq3A_211 = vector.broadcast %eq3A_210 : i32 to vector<16xi32>
      %eq3A_212 = arith.cmpi eq, %get3A_187, %eq3A_211 : vector<16xi32>
      %jit3A_213 = arith.constant 0.000000e+00 : f32
      %broadcast_in_dim3A_214 = vector.broadcast %jit3A_213 : f32 to vector<16xf32>
      %select_n3A_215 = arith.select %eq3A_212, %select_n3A_202, %broadcast_in_dim3A_214 : vector<16xi1>, vector<16xf32>
      %add3A_216 = arith.addf %scan3A_174, %select_n3A_215 : vector<16xf32>
      %eq3A_217 = arith.constant 2 : i32
      %eq3A_218 = vector.broadcast %eq3A_217 : i32 to vector<16xi32>
      %eq3A_219 = arith.cmpi eq, %get3A_187, %eq3A_218 : vector<16xi32>
      %jit3A_220 = arith.constant 0.000000e+00 : f32
      %broadcast_in_dim3A_221 = vector.broadcast %jit3A_220 : f32 to vector<16xf32>
      %select_n3A_222 = arith.select %eq3A_219, %select_n3A_202, %broadcast_in_dim3A_221 : vector<16xi1>, vector<16xf32>
      %add3A_223 = arith.addf %scan3A_175, %select_n3A_222 : vector<16xf32>
      %eq3A_224 = arith.constant 3 : i32
      %eq3A_225 = vector.broadcast %eq3A_224 : i32 to vector<16xi32>
      %eq3A_226 = arith.cmpi eq, %get3A_187, %eq3A_225 : vector<16xi32>
      %jit3A_227 = arith.constant 0.000000e+00 : f32
      %broadcast_in_dim3A_228 = vector.broadcast %jit3A_227 : f32 to vector<16xf32>
      %select_n3A_229 = arith.select %eq3A_226, %select_n3A_202, %broadcast_in_dim3A_228 : vector<16xi1>, vector<16xf32>
      %add3A_230 = arith.addf %scan3A_176, %select_n3A_229 : vector<16xf32>
      %eq3A_231 = arith.constant 4 : i32
      %eq3A_232 = vector.broadcast %eq3A_231 : i32 to vector<16xi32>
      %eq3A_233 = arith.cmpi eq, %get3A_187, %eq3A_232 : vector<16xi32>
      %jit3A_234 = arith.constant 0.000000e+00 : f32
      %broadcast_in_dim3A_235 = vector.broadcast %jit3A_234 : f32 to vector<16xf32>
      %select_n3A_236 = arith.select %eq3A_233, %select_n3A_202, %broadcast_in_dim3A_235 : vector<16xi1>, vector<16xf32>
      %add3A_237 = arith.addf %scan3A_177, %select_n3A_236 : vector<16xf32>
      %eq3A_238 = arith.constant 5 : i32
      %eq3A_239 = vector.broadcast %eq3A_238 : i32 to vector<16xi32>
      %eq3A_240 = arith.cmpi eq, %get3A_187, %eq3A_239 : vector<16xi32>
      %jit3A_241 = arith.constant 0.000000e+00 : f32
      %broadcast_in_dim3A_242 = vector.broadcast %jit3A_241 : f32 to vector<16xf32>
      %select_n3A_243 = arith.select %eq3A_240, %select_n3A_202, %broadcast_in_dim3A_242 : vector<16xi1>, vector<16xf32>
      %add3A_244 = arith.addf %scan3A_178, %select_n3A_243 : vector<16xf32>
      %eq3A_245 = arith.constant 6 : i32
      %eq3A_246 = vector.broadcast %eq3A_245 : i32 to vector<16xi32>
      %eq3A_247 = arith.cmpi eq, %get3A_187, %eq3A_246 : vector<16xi32>
      %jit3A_248 = arith.constant 0.000000e+00 : f32
      %broadcast_in_dim3A_249 = vector.broadcast %jit3A_248 : f32 to vector<16xf32>
      %select_n3A_250 = arith.select %eq3A_247, %select_n3A_202, %broadcast_in_dim3A_249 : vector<16xi1>, vector<16xf32>
      %add3A_251 = arith.addf %scan3A_179, %select_n3A_250 : vector<16xf32>
      %eq3A_252 = arith.constant 7 : i32
      %eq3A_253 = vector.broadcast %eq3A_252 : i32 to vector<16xi32>
      %eq3A_254 = arith.cmpi eq, %get3A_187, %eq3A_253 : vector<16xi32>
      %jit3A_255 = arith.constant 0.000000e+00 : f32
      %broadcast_in_dim3A_256 = vector.broadcast %jit3A_255 : f32 to vector<16xf32>
      %select_n3A_257 = arith.select %eq3A_254, %select_n3A_202, %broadcast_in_dim3A_256 : vector<16xi1>, vector<16xf32>
      %add3A_258 = arith.addf %scan3A_180, %select_n3A_257 : vector<16xf32>
      %mul3A_259 = arith.constant 64 : i32
      %mul3A_260 = vector.broadcast %mul3A_259 : i32 to vector<16xi32>
      %mul3A_261 = arith.muli %add3A_192, %mul3A_260 : vector<16xi32>
      %add3A_262 = arith.addi %mul3A_261, %get3A_187 : vector<16xi32>
      %convert_element_type3A_263 = arith.sitofp %add3A_262 : vector<16xi32> to vector<16xf32>
      %jit3A_264 = arith.constant -1.000000e+00 : f32
      %broadcast_in_dim3A_265 = vector.broadcast %jit3A_264 : f32 to vector<16xf32>
      %select_n3A_266 = arith.select %and3A_197, %convert_element_type3A_263, %broadcast_in_dim3A_265 : vector<16xi1>, vector<16xf32>
      %reduce_max3A = arith.constant true
      %reduce_max3A_267 = vector.broadcast %reduce_max3A : i1 to vector<16xi1>
      %reduce_max3A_268 = tpu.scan <max>, %select_n3A_266 masked %reduce_max3A_267 : vector<16xf32>, vector<16xi1> -> vector<16xf32>
      %reduce_max3A_269 = vector.extract %reduce_max3A_268[15] : f32 from vector<16xf32>
      %max3A = arith.maximumf %scan3A_181, %reduce_max3A_269 : f32
      scf.yield %add3A_209, %add3A_216, %add3A_223, %add3A_230, %add3A_237, %add3A_244, %add3A_251, %add3A_258, %max3A : vector<16xf32>, vector<16xf32>, vector<16xf32>, vector<16xf32>, vector<16xf32>, vector<16xf32>, vector<16xf32>, vector<16xf32>, f32
    }
    %scan3A_88 = arith.constant 80 : i32
    %eq3A = arith.constant 8 : i32
    %eq3A_89 = vector.broadcast %eq3A : i32 to vector<16xi32>
    %eq3A_90 = arith.cmpi eq, %iota3A, %eq3A_89 : vector<16xi32>
    %jit3A = arith.constant 0.000000e+00 : f32
    %broadcast_in_dim3A_91 = vector.broadcast %scan3A_87#8 : f32 to vector<16xf32>
    %broadcast_in_dim3A_92 = vector.broadcast %jit3A : f32 to vector<16xf32>
    %select_n3A = arith.select %eq3A_90, %broadcast_in_dim3A_91, %broadcast_in_dim3A_92 : vector<16xi1>, vector<16xf32>
    %eq3A_93 = arith.constant 0 : i32
    %eq3A_94 = vector.broadcast %eq3A_93 : i32 to vector<16xi32>
    %eq3A_95 = arith.cmpi eq, %iota3A, %eq3A_94 : vector<16xi32>
    %reduce_sum3A = arith.constant true
    %reduce_sum3A_96 = vector.broadcast %reduce_sum3A : i1 to vector<16xi1>
    %reduce_sum3A_97 = tpu.scan <sum>, %scan3A_87#0 masked %reduce_sum3A_96 : vector<16xf32>, vector<16xi1> -> vector<16xf32>
    %reduce_sum3A_98 = vector.extract %reduce_sum3A_97[15] : f32 from vector<16xf32>
    %broadcast_in_dim3A_99 = vector.broadcast %reduce_sum3A_98 : f32 to vector<16xf32>
    %select_n3A_100 = arith.select %eq3A_95, %broadcast_in_dim3A_99, %select_n3A : vector<16xi1>, vector<16xf32>
    %eq3A_101 = arith.constant 1 : i32
    %eq3A_102 = vector.broadcast %eq3A_101 : i32 to vector<16xi32>
    %eq3A_103 = arith.cmpi eq, %iota3A, %eq3A_102 : vector<16xi32>
    %reduce_sum3A_104 = arith.constant true
    %reduce_sum3A_105 = vector.broadcast %reduce_sum3A_104 : i1 to vector<16xi1>
    %reduce_sum3A_106 = tpu.scan <sum>, %scan3A_87#1 masked %reduce_sum3A_105 : vector<16xf32>, vector<16xi1> -> vector<16xf32>
    %reduce_sum3A_107 = vector.extract %reduce_sum3A_106[15] : f32 from vector<16xf32>
    %broadcast_in_dim3A_108 = vector.broadcast %reduce_sum3A_107 : f32 to vector<16xf32>
    %select_n3A_109 = arith.select %eq3A_103, %broadcast_in_dim3A_108, %select_n3A_100 : vector<16xi1>, vector<16xf32>
    %eq3A_110 = arith.constant 2 : i32
    %eq3A_111 = vector.broadcast %eq3A_110 : i32 to vector<16xi32>
    %eq3A_112 = arith.cmpi eq, %iota3A, %eq3A_111 : vector<16xi32>
    %reduce_sum3A_113 = arith.constant true
    %reduce_sum3A_114 = vector.broadcast %reduce_sum3A_113 : i1 to vector<16xi1>
    %reduce_sum3A_115 = tpu.scan <sum>, %scan3A_87#2 masked %reduce_sum3A_114 : vector<16xf32>, vector<16xi1> -> vector<16xf32>
    %reduce_sum3A_116 = vector.extract %reduce_sum3A_115[15] : f32 from vector<16xf32>
    %broadcast_in_dim3A_117 = vector.broadcast %reduce_sum3A_116 : f32 to vector<16xf32>
    %select_n3A_118 = arith.select %eq3A_112, %broadcast_in_dim3A_117, %select_n3A_109 : vector<16xi1>, vector<16xf32>
    %eq3A_119 = arith.constant 3 : i32
    %eq3A_120 = vector.broadcast %eq3A_119 : i32 to vector<16xi32>
    %eq3A_121 = arith.cmpi eq, %iota3A, %eq3A_120 : vector<16xi32>
    %reduce_sum3A_122 = arith.constant true
    %reduce_sum3A_123 = vector.broadcast %reduce_sum3A_122 : i1 to vector<16xi1>
    %reduce_sum3A_124 = tpu.scan <sum>, %scan3A_87#3 masked %reduce_sum3A_123 : vector<16xf32>, vector<16xi1> -> vector<16xf32>
    %reduce_sum3A_125 = vector.extract %reduce_sum3A_124[15] : f32 from vector<16xf32>
    %broadcast_in_dim3A_126 = vector.broadcast %reduce_sum3A_125 : f32 to vector<16xf32>
    %select_n3A_127 = arith.select %eq3A_121, %broadcast_in_dim3A_126, %select_n3A_118 : vector<16xi1>, vector<16xf32>
    %eq3A_128 = arith.constant 4 : i32
    %eq3A_129 = vector.broadcast %eq3A_128 : i32 to vector<16xi32>
    %eq3A_130 = arith.cmpi eq, %iota3A, %eq3A_129 : vector<16xi32>
    %reduce_sum3A_131 = arith.constant true
    %reduce_sum3A_132 = vector.broadcast %reduce_sum3A_131 : i1 to vector<16xi1>
    %reduce_sum3A_133 = tpu.scan <sum>, %scan3A_87#4 masked %reduce_sum3A_132 : vector<16xf32>, vector<16xi1> -> vector<16xf32>
    %reduce_sum3A_134 = vector.extract %reduce_sum3A_133[15] : f32 from vector<16xf32>
    %broadcast_in_dim3A_135 = vector.broadcast %reduce_sum3A_134 : f32 to vector<16xf32>
    %select_n3A_136 = arith.select %eq3A_130, %broadcast_in_dim3A_135, %select_n3A_127 : vector<16xi1>, vector<16xf32>
    %eq3A_137 = arith.constant 5 : i32
    %eq3A_138 = vector.broadcast %eq3A_137 : i32 to vector<16xi32>
    %eq3A_139 = arith.cmpi eq, %iota3A, %eq3A_138 : vector<16xi32>
    %reduce_sum3A_140 = arith.constant true
    %reduce_sum3A_141 = vector.broadcast %reduce_sum3A_140 : i1 to vector<16xi1>
    %reduce_sum3A_142 = tpu.scan <sum>, %scan3A_87#5 masked %reduce_sum3A_141 : vector<16xf32>, vector<16xi1> -> vector<16xf32>
    %reduce_sum3A_143 = vector.extract %reduce_sum3A_142[15] : f32 from vector<16xf32>
    %broadcast_in_dim3A_144 = vector.broadcast %reduce_sum3A_143 : f32 to vector<16xf32>
    %select_n3A_145 = arith.select %eq3A_139, %broadcast_in_dim3A_144, %select_n3A_136 : vector<16xi1>, vector<16xf32>
    %eq3A_146 = arith.constant 6 : i32
    %eq3A_147 = vector.broadcast %eq3A_146 : i32 to vector<16xi32>
    %eq3A_148 = arith.cmpi eq, %iota3A, %eq3A_147 : vector<16xi32>
    %reduce_sum3A_149 = arith.constant true
    %reduce_sum3A_150 = vector.broadcast %reduce_sum3A_149 : i1 to vector<16xi1>
    %reduce_sum3A_151 = tpu.scan <sum>, %scan3A_87#6 masked %reduce_sum3A_150 : vector<16xf32>, vector<16xi1> -> vector<16xf32>
    %reduce_sum3A_152 = vector.extract %reduce_sum3A_151[15] : f32 from vector<16xf32>
    %broadcast_in_dim3A_153 = vector.broadcast %reduce_sum3A_152 : f32 to vector<16xf32>
    %select_n3A_154 = arith.select %eq3A_148, %broadcast_in_dim3A_153, %select_n3A_145 : vector<16xi1>, vector<16xf32>
    %eq3A_155 = arith.constant 7 : i32
    %eq3A_156 = vector.broadcast %eq3A_155 : i32 to vector<16xi32>
    %eq3A_157 = arith.cmpi eq, %iota3A, %eq3A_156 : vector<16xi32>
    %reduce_sum3A_158 = arith.constant true
    %reduce_sum3A_159 = vector.broadcast %reduce_sum3A_158 : i1 to vector<16xi1>
    %reduce_sum3A_160 = tpu.scan <sum>, %scan3A_87#7 masked %reduce_sum3A_159 : vector<16xf32>, vector<16xi1> -> vector<16xf32>
    %reduce_sum3A_161 = vector.extract %reduce_sum3A_160[15] : f32 from vector<16xf32>
    %broadcast_in_dim3A_162 = vector.broadcast %reduce_sum3A_161 : f32 to vector<16xf32>
    %select_n3A_163 = arith.select %eq3A_157, %broadcast_in_dim3A_162, %select_n3A_154 : vector<16xi1>, vector<16xf32>
    %swap3A_164 = arith.constant 0 : index
    %swap3A_165 = tpu.vector_load %arg9[%swap3A_164] {strides = array<i32>} : memref<16xf32, #tpu.memory_space<vmem>>, vector<16xf32>,
    tpu.vector_store %arg9[%swap3A_164], %select_n3A_163 {strides = array<i32>} : memref<16xf32, #tpu.memory_space<vmem>>, vector<16xf32>,
    "tpu.region"() ({
      %run_scoped3A_172 = tpu.sem_alloc : memref<!tpu.dma_semaphore, #tpu.memory_space<semaphore_mem>>
      %dma_start3A = arith.constant 0 : i32
      %dma_start3A_173 = tpu.memref_slice %arg13[%arg1, %dma_start3A] : memref<16x16xf32, #tpu.memory_space<vmem_shared>> -> memref<1x16xf32, #tpu.memory_space<vmem_shared>>
      %dma_start3A_174 = tpu.memref_squeeze %dma_start3A_173 : memref<1x16xf32, #tpu.memory_space<vmem_shared>> -> memref<16xf32, #tpu.memory_space<vmem_shared>>
      %dma_start3A_175 = arith.constant 0 : i32
      %dma_start3A_176 = tpu.memref_slice %arg13[%arg1, %dma_start3A_175] : memref<16x16xf32, #tpu.memory_space<vmem_shared>> -> memref<1x16xf32, #tpu.memory_space<vmem_shared>>
      %dma_start3A_177 = tpu.memref_squeeze %dma_start3A_176 : memref<1x16xf32, #tpu.memory_space<vmem_shared>> -> memref<16xf32, #tpu.memory_space<vmem_shared>>
      tpu.enqueue_dma source(%arg9 : memref<16xf32, #tpu.memory_space<vmem>>) target(%dma_start3A_177 : memref<16xf32, #tpu.memory_space<vmem_shared>>) target_semaphore(%run_scoped3A_172 : memref<!tpu.dma_semaphore, #tpu.memory_space<semaphore_mem>>)
      %dma_wait3A = arith.constant 0 : i32
      %dma_wait3A_178 = tpu.memref_slice %arg13[%arg1, %dma_wait3A] : memref<16x16xf32, #tpu.memory_space<vmem_shared>> -> memref<1x16xf32, #tpu.memory_space<vmem_shared>>
      %dma_wait3A_179 = tpu.memref_squeeze %dma_wait3A_178 : memref<1x16xf32, #tpu.memory_space<vmem_shared>> -> memref<16xf32, #tpu.memory_space<vmem_shared>>
      %dma_wait3A_180 = arith.constant 0 : i32
      %dma_wait3A_181 = tpu.memref_slice %arg13[%arg1, %dma_wait3A_180] : memref<16x16xf32, #tpu.memory_space<vmem_shared>> -> memref<1x16xf32, #tpu.memory_space<vmem_shared>>
      %dma_wait3A_182 = tpu.memref_squeeze %dma_wait3A_181 : memref<1x16xf32, #tpu.memory_space<vmem_shared>> -> memref<16xf32, #tpu.memory_space<vmem_shared>>
      tpu.wait_dma2 semaphore(%run_scoped3A_172 : memref<!tpu.dma_semaphore, #tpu.memory_space<semaphore_mem>>) src(%arg9 : memref<16xf32, #tpu.memory_space<vmem>>) dst(%dma_wait3A_182 : memref<16xf32, #tpu.memory_space<vmem_shared>>)
      tpu.yield
    }) : () -> ()
    %barrier3A_166 = arith.constant 0 : index
    tpu.barrier barrier_id(%barrier3A_166)
    %eq3A_167 = arith.constant 0 : i32
    %eq3A_168 = arith.cmpi eq, %arg0, %eq3A_167 : i32
    %eq3A_169 = arith.constant 0 : i32
    %eq3A_170 = arith.cmpi eq, %arg1, %eq3A_169 : i32
    %and3A = arith.andi %eq3A_168, %eq3A_170 : i1
    %convert_element_type3A = arith.extui %and3A : i1 to i32
    %cond3A = arith.constant 0 : i32
    %cond3A_171 = arith.cmpi ne, %convert_element_type3A, %cond3A : i32
    scf.if %cond3A_171 {
      "tpu.region"() ({
        %run_scoped3A_306 = tpu.sem_alloc : memref<!tpu.dma_semaphore, #tpu.memory_space<semaphore_mem>>
        tpu.enqueue_dma source(%arg13 : memref<16x16xf32, #tpu.memory_space<vmem_shared>>) target(%arg10 : memref<16x16xf32, #tpu.memory_space<vmem>>) target_semaphore(%run_scoped3A_306 : memref<!tpu.dma_semaphore, #tpu.memory_space<semaphore_mem>>)
        tpu.wait_dma2 semaphore(%run_scoped3A_306 : memref<!tpu.dma_semaphore, #tpu.memory_space<semaphore_mem>>) src(%arg13 : memref<16x16xf32, #tpu.memory_space<vmem_shared>>) dst(%arg10 : memref<16x16xf32, #tpu.memory_space<vmem>>)
        tpu.yield
      }) : () -> ()
      %sub3A = arith.constant 1.000000e+00 : f32
      %sub3A_172 = vector.broadcast %sub3A : f32 to vector<16xf32>
      %sub3A_173 = arith.subf %broadcast_in_dim3A_79, %sub3A_172 : vector<16xf32>
      %get3A = arith.constant 0 : i32
      %get3A_174 = arith.index_cast %get3A : i32 to index
      %get3A_175 = arith.constant 0 : index
      %get3A_176 = tpu.vector_load %arg10[%get3A_174, %get3A_175] {strides = array<i32>} : memref<16x16xf32, #tpu.memory_space<vmem>>, vector<16xf32>,
      %add3A_177 = arith.addf %broadcast_in_dim3A_79, %get3A_176 : vector<16xf32>
      %max3A = arith.maximumf %sub3A_173, %get3A_176 : vector<16xf32>
      %get3A_178 = arith.constant 1 : i32
      %get3A_179 = arith.index_cast %get3A_178 : i32 to index
      %get3A_180 = arith.constant 0 : index
      %get3A_181 = tpu.vector_load %arg10[%get3A_179, %get3A_180] {strides = array<i32>} : memref<16x16xf32, #tpu.memory_space<vmem>>, vector<16xf32>,
      %add3A_182 = arith.addf %add3A_177, %get3A_181 : vector<16xf32>
      %max3A_183 = arith.maximumf %max3A, %get3A_181 : vector<16xf32>
      %get3A_184 = arith.constant 2 : i32
      %get3A_185 = arith.index_cast %get3A_184 : i32 to index
      %get3A_186 = arith.constant 0 : index
      %get3A_187 = tpu.vector_load %arg10[%get3A_185, %get3A_186] {strides = array<i32>} : memref<16x16xf32, #tpu.memory_space<vmem>>, vector<16xf32>,
      %add3A_188 = arith.addf %add3A_182, %get3A_187 : vector<16xf32>
      %max3A_189 = arith.maximumf %max3A_183, %get3A_187 : vector<16xf32>
      %get3A_190 = arith.constant 3 : i32
      %get3A_191 = arith.index_cast %get3A_190 : i32 to index
      %get3A_192 = arith.constant 0 : index
      %get3A_193 = tpu.vector_load %arg10[%get3A_191, %get3A_192] {strides = array<i32>} : memref<16x16xf32, #tpu.memory_space<vmem>>, vector<16xf32>,
      %add3A_194 = arith.addf %add3A_188, %get3A_193 : vector<16xf32>
      %max3A_195 = arith.maximumf %max3A_189, %get3A_193 : vector<16xf32>
      %get3A_196 = arith.constant 4 : i32
      %get3A_197 = arith.index_cast %get3A_196 : i32 to index
      %get3A_198 = arith.constant 0 : index
      %get3A_199 = tpu.vector_load %arg10[%get3A_197, %get3A_198] {strides = array<i32>} : memref<16x16xf32, #tpu.memory_space<vmem>>, vector<16xf32>,
      %add3A_200 = arith.addf %add3A_194, %get3A_199 : vector<16xf32>
      %max3A_201 = arith.maximumf %max3A_195, %get3A_199 : vector<16xf32>
      %get3A_202 = arith.constant 5 : i32
      %get3A_203 = arith.index_cast %get3A_202 : i32 to index
      %get3A_204 = arith.constant 0 : index
      %get3A_205 = tpu.vector_load %arg10[%get3A_203, %get3A_204] {strides = array<i32>} : memref<16x16xf32, #tpu.memory_space<vmem>>, vector<16xf32>,
      %add3A_206 = arith.addf %add3A_200, %get3A_205 : vector<16xf32>
      %max3A_207 = arith.maximumf %max3A_201, %get3A_205 : vector<16xf32>
      %get3A_208 = arith.constant 6 : i32
      %get3A_209 = arith.index_cast %get3A_208 : i32 to index
      %get3A_210 = arith.constant 0 : index
      %get3A_211 = tpu.vector_load %arg10[%get3A_209, %get3A_210] {strides = array<i32>} : memref<16x16xf32, #tpu.memory_space<vmem>>, vector<16xf32>,
      %add3A_212 = arith.addf %add3A_206, %get3A_211 : vector<16xf32>
      %max3A_213 = arith.maximumf %max3A_207, %get3A_211 : vector<16xf32>
      %get3A_214 = arith.constant 7 : i32
      %get3A_215 = arith.index_cast %get3A_214 : i32 to index
      %get3A_216 = arith.constant 0 : index
      %get3A_217 = tpu.vector_load %arg10[%get3A_215, %get3A_216] {strides = array<i32>} : memref<16x16xf32, #tpu.memory_space<vmem>>, vector<16xf32>,
      %add3A_218 = arith.addf %add3A_212, %get3A_217 : vector<16xf32>
      %max3A_219 = arith.maximumf %max3A_213, %get3A_217 : vector<16xf32>
      %get3A_220 = arith.constant 8 : i32
      %get3A_221 = arith.index_cast %get3A_220 : i32 to index
      %get3A_222 = arith.constant 0 : index
      %get3A_223 = tpu.vector_load %arg10[%get3A_221, %get3A_222] {strides = array<i32>} : memref<16x16xf32, #tpu.memory_space<vmem>>, vector<16xf32>,
      %add3A_224 = arith.addf %add3A_218, %get3A_223 : vector<16xf32>
      %max3A_225 = arith.maximumf %max3A_219, %get3A_223 : vector<16xf32>
      %get3A_226 = arith.constant 9 : i32
      %get3A_227 = arith.index_cast %get3A_226 : i32 to index
      %get3A_228 = arith.constant 0 : index
      %get3A_229 = tpu.vector_load %arg10[%get3A_227, %get3A_228] {strides = array<i32>} : memref<16x16xf32, #tpu.memory_space<vmem>>, vector<16xf32>,
      %add3A_230 = arith.addf %add3A_224, %get3A_229 : vector<16xf32>
      %max3A_231 = arith.maximumf %max3A_225, %get3A_229 : vector<16xf32>
      %get3A_232 = arith.constant 10 : i32
      %get3A_233 = arith.index_cast %get3A_232 : i32 to index
      %get3A_234 = arith.constant 0 : index
      %get3A_235 = tpu.vector_load %arg10[%get3A_233, %get3A_234] {strides = array<i32>} : memref<16x16xf32, #tpu.memory_space<vmem>>, vector<16xf32>,
      %add3A_236 = arith.addf %add3A_230, %get3A_235 : vector<16xf32>
      %max3A_237 = arith.maximumf %max3A_231, %get3A_235 : vector<16xf32>
      %get3A_238 = arith.constant 11 : i32
      %get3A_239 = arith.index_cast %get3A_238 : i32 to index
      %get3A_240 = arith.constant 0 : index
      %get3A_241 = tpu.vector_load %arg10[%get3A_239, %get3A_240] {strides = array<i32>} : memref<16x16xf32, #tpu.memory_space<vmem>>, vector<16xf32>,
      %add3A_242 = arith.addf %add3A_236, %get3A_241 : vector<16xf32>
      %max3A_243 = arith.maximumf %max3A_237, %get3A_241 : vector<16xf32>
      %get3A_244 = arith.constant 12 : i32
      %get3A_245 = arith.index_cast %get3A_244 : i32 to index
      %get3A_246 = arith.constant 0 : index
      %get3A_247 = tpu.vector_load %arg10[%get3A_245, %get3A_246] {strides = array<i32>} : memref<16x16xf32, #tpu.memory_space<vmem>>, vector<16xf32>,
      %add3A_248 = arith.addf %add3A_242, %get3A_247 : vector<16xf32>
      %max3A_249 = arith.maximumf %max3A_243, %get3A_247 : vector<16xf32>
      %get3A_250 = arith.constant 13 : i32
      %get3A_251 = arith.index_cast %get3A_250 : i32 to index
      %get3A_252 = arith.constant 0 : index
      %get3A_253 = tpu.vector_load %arg10[%get3A_251, %get3A_252] {strides = array<i32>} : memref<16x16xf32, #tpu.memory_space<vmem>>, vector<16xf32>,
      %add3A_254 = arith.addf %add3A_248, %get3A_253 : vector<16xf32>
      %max3A_255 = arith.maximumf %max3A_249, %get3A_253 : vector<16xf32>
      %get3A_256 = arith.constant 14 : i32
      %get3A_257 = arith.index_cast %get3A_256 : i32 to index
      %get3A_258 = arith.constant 0 : index
      %get3A_259 = tpu.vector_load %arg10[%get3A_257, %get3A_258] {strides = array<i32>} : memref<16x16xf32, #tpu.memory_space<vmem>>, vector<16xf32>,
      %add3A_260 = arith.addf %add3A_254, %get3A_259 : vector<16xf32>
      %max3A_261 = arith.maximumf %max3A_255, %get3A_259 : vector<16xf32>
      %get3A_262 = arith.constant 15 : i32
      %get3A_263 = arith.index_cast %get3A_262 : i32 to index
      %get3A_264 = arith.constant 0 : index
      %get3A_265 = tpu.vector_load %arg10[%get3A_263, %get3A_264] {strides = array<i32>} : memref<16x16xf32, #tpu.memory_space<vmem>>, vector<16xf32>,
      %add3A_266 = arith.addf %add3A_260, %get3A_265 : vector<16xf32>
      %max3A_267 = arith.maximumf %max3A_261, %get3A_265 : vector<16xf32>
      %lt3A = arith.constant 8 : i32
      %lt3A_268 = vector.broadcast %lt3A : i32 to vector<16xi32>
      %lt3A_269 = arith.cmpi slt, %iota3A, %lt3A_268 : vector<16xi32>
      %jit3A_270 = arith.constant 0.000000e+00 : f32
      %broadcast_in_dim3A_271 = vector.broadcast %jit3A_270 : f32 to vector<16xf32>
      %select_n3A_272 = arith.select %lt3A_269, %add3A_266, %broadcast_in_dim3A_271 : vector<16xi1>, vector<16xf32>
      %reduce_max3A = arith.constant true
      %reduce_max3A_273 = vector.broadcast %reduce_max3A : i1 to vector<16xi1>
      %reduce_max3A_274 = tpu.scan <max>, %select_n3A_272 masked %reduce_max3A_273 : vector<16xf32>, vector<16xi1> -> vector<16xf32>
      %reduce_max3A_275 = vector.extract %reduce_max3A_274[15] : f32 from vector<16xf32>
      %convert_element_type3A_276 = arith.fptosi %reduce_max3A_275 : f32 to i32
      %eq3A_277 = arith.constant 8 : i32
      %eq3A_278 = vector.broadcast %eq3A_277 : i32 to vector<16xi32>
      %eq3A_279 = arith.cmpi eq, %iota3A, %eq3A_278 : vector<16xi32>
      %jit3A_280 = arith.constant -1.000000e+00 : f32
      %broadcast_in_dim3A_281 = vector.broadcast %jit3A_280 : f32 to vector<16xf32>
      %select_n3A_282 = arith.select %eq3A_279, %max3A_267, %broadcast_in_dim3A_281 : vector<16xi1>, vector<16xf32>
      %reduce_max3A_283 = arith.constant true
      %reduce_max3A_284 = vector.broadcast %reduce_max3A_283 : i1 to vector<16xi1>
      %reduce_max3A_285 = tpu.scan <max>, %select_n3A_282 masked %reduce_max3A_284 : vector<16xf32>, vector<16xi1> -> vector<16xf32>
      %reduce_max3A_286 = vector.extract %reduce_max3A_285[15] : f32 from vector<16xf32>
      %convert_element_type3A_287 = arith.fptosi %reduce_max3A_286 : f32 to i32
      %and3A_288 = arith.constant 63 : i32
      %and3A_289 = arith.andi %convert_element_type3A_287, %and3A_288 : i32
      %add3A_290 = arith.constant 1 : i32
      %add3A_291 = arith.addi %and3A_289, %add3A_290 : i32
      %eq3A_292 = arith.constant 0 : i32
      %eq3A_293 = vector.broadcast %eq3A_292 : i32 to vector<16xi32>
      %eq3A_294 = arith.cmpi eq, %iota3A, %eq3A_293 : vector<16xi32>
      %eq3A_295 = arith.constant 1 : i32
      %eq3A_296 = vector.broadcast %eq3A_295 : i32 to vector<16xi32>
      %eq3A_297 = arith.cmpi eq, %iota3A, %eq3A_296 : vector<16xi32>
      %jit3A_298 = arith.constant 0 : i32
      %broadcast_in_dim3A_299 = vector.broadcast %add3A_291 : i32 to vector<16xi32>
      %broadcast_in_dim3A_300 = vector.broadcast %jit3A_298 : i32 to vector<16xi32>
      %select_n3A_301 = arith.select %eq3A_297, %broadcast_in_dim3A_299, %broadcast_in_dim3A_300 : vector<16xi1>, vector<16xi32>
      %broadcast_in_dim3A_302 = vector.broadcast %convert_element_type3A_276 : i32 to vector<16xi32>
      %select_n3A_303 = arith.select %eq3A_294, %broadcast_in_dim3A_302, %select_n3A_301 : vector<16xi1>, vector<16xi32>
      %swap3A_304 = arith.constant 0 : index
      %swap3A_305 = tpu.vector_load %arg11[%swap3A_304] {strides = array<i32>} : memref<16xi32, #tpu.memory_space<vmem>>, vector<16xi32>,
      tpu.vector_store %arg11[%swap3A_304], %select_n3A_303 {strides = array<i32>} : memref<16xi32, #tpu.memory_space<vmem>>, vector<16xi32>,
      "tpu.region"() ({
        %run_scoped3A_306 = tpu.sem_alloc : memref<!tpu.dma_semaphore, #tpu.memory_space<semaphore_mem>>
        tpu.enqueue_dma source(%arg11 : memref<16xi32, #tpu.memory_space<vmem>>) target(%arg4 : memref<16xi32, #tpu.memory_space<hbm>>) target_semaphore(%run_scoped3A_306 : memref<!tpu.dma_semaphore, #tpu.memory_space<semaphore_mem>>)
        tpu.wait_dma2 semaphore(%run_scoped3A_306 : memref<!tpu.dma_semaphore, #tpu.memory_space<semaphore_mem>>) src(%arg11 : memref<16xi32, #tpu.memory_space<vmem>>) dst(%arg4 : memref<16xi32, #tpu.memory_space<hbm>>)
        tpu.yield
      }) : () -> ()
    } else {
    }
    return
  }
}

</mosaic_0001>

<sc_bundles>
// kernel: _sc_lb.3.cloned.1.call-start
scs
__scs_entry_jumppad:
0x0: {  	(pc) =	sbr.rel $0x88, $3  }
0x1: {  	(tag) =	ssettag $0x0;
	lr =	simm.s32 $0x1  }
0x2: {  	[smem:$0x3F9F] =	sst lr;
	_ =	strace $0xD0000000  }
0x3: {  	_ = 	snop  }
0x4: {  	_ = 	snop  }
0x5: {  	_ = 	snop  }
0x6: {  	_ = 	snop  }
0x7: {  	_ = 	snop  }
__scs_overlays_trampoline_lowered:
0x8: {  	[smem:$0x3FAE] =	sst s0  }
0x9: {  	[smem:$0x3FAF] =	sst s1  }
0xa: {  	[smem:$0x3FB0] =	sst s2  }
0xb: {  	[smem:$0x3FB1] =	sst s3  }
0xc: {  	[smem:$0x3FB2] =	sst s4  }
0xd: {  	[smem:$0x3FB3] =	sst s5  }
0xe: {  	[smem:$0x3FB4] =	sst s6  }
0xf: {  	[smem:$0x3FB5] =	sst s7  }
0x10: {  	[smem:$0x3FB6] =	sst s8  }
0x11: {  	[smem:$0x3FB7] =	sst s9;
	s0 =	simm.s32 @!p0 $0x0  }
0x12: {  	s1 =	sld [smem:$0x3F9D];
	s0 =	simm.s32 @p0 $0x1  }
0x13: {  	[smem:$0x3FB8] =	sst s0;
	s0 =	simm.s32 @!p1 $0x0  }
0x14: {  	s2 =	sld [smem:$0x3F9C];
	s0 =	simm.s32 @p1 $0x1  }
0x15: {  	[smem:$0x3FB9] =	sst s0;
	s0 =	simm.s32 @!p2 $0x0  }
0x16: {  	s3 =	sld [smem:$0x3FDB];
	s0 =	simm.s32 @p2 $0x1  }
0x17: {  	s4 =	simm.s32 $0x1BF5;
	[smem:$0x3FBB] =	sst s0  }
0x18: {  	s0 =	sld [smem:$0x3F9E];
	_ =	swait.ge [sflag:s4], $0x0  }
0x19: {  	s7 =	sld [smem:$0x3F9F]  }
0x1a: {  	s8 =	sadd.s32 $0xFFFFE003, lr  }
0x1b: {  	s9 =	sadd.s32 $0xFFFFFEF7, lr;
	s5 =	simm.s32 $0xFFFFFFFF;
	p2 =	slt.u32 s8, $0xFFFFF086  }
0x1c: {  	p1 =	slt.u32 s9, $0xF7A;
	s5 =	simm.s32 @!p2 $0x0  }
0x1d: {  	s5 =	simm.s32 @p1 $0x1;
	p0 =	seq.s32 s7, s2  }
0x1e: {  	s7 =	smul.u32 @!p0 $0xF7A, s2;
	p2 =	seq.s32 @!p0 s5, $0x0  }
0x1f: {  	s9 =	smul.u32 $0xF7A, s1;
	s8 =	simm.s32 @!p0 $0x1BF5;
	p2 =	por !p2, p0  }
0x20: {  	[sflag:s8] =	ssyncset.s32 @!p0 $0xFFFFF086;
	s6 =	sadd.s32 @!p0 s3, s7;
	s7 =	simm.s32 @!p0 $0x108  }
0x21: {  	s3 =	sadd.s32 s3, s9;
	s6 =	sadd.s32 @!p0 $0x88, s6;
	s7 =	simm.s32 @p2 $0x1082  }
0x22: {  	[simem:s7], [sflag:s8] =	dma.local @!p0 [hbm:s6], $0xF7A  }
0x23: {  	s9 =	sor.u32 $0xD0000000, s2;
	s6 =	simm.s32 $0x108;
	_ =	swait.ge @!p0 [sflag:s8], $0x0  }
0x24: {  	s3 =	sadd.s32 $0x88, s3;
	s6 =	simm.s32 @!p1 $0x1082;
	[sflag:s4] =	ssyncset.s32 $0xFFFFF086  }
0x25: {  	[simem:s6], [sflag:s4] =	dma.local [hbm:s3], $0xF7A  }
0x26: {  	[smem:$0x3F9F] =	sst s1;
	(tag) =	ssettag s2;
	_ =	strace s9  }
0x27: {  	s1 =	sld [smem:$0x3FAF]  }
0x28: {  	s2 =	sld [smem:$0x3FB0]  }
0x29: {  	s4 =	sld [smem:$0x3FB2]  }
0x2a: {  	p0 =	seq.s32 s5, $0x0;
	s5 =	sld [smem:$0x3FB3]  }
0x2b: {  	s6 =	sld [smem:$0x3FB4]  }
0x2c: {  	s7 =	sld [smem:$0x3FB5]  }
0x2d: {  	s3 =	simm.s32 $0x108;
	s8 =	sld [smem:$0x3FB6]  }
0x2e: {  	s3 =	simm.s32 @!p0 $0x1082;
	s9 =	sld [smem:$0x3FB7]  }
0x2f: {  	lr =	sadd.s32 s0, s3;
	s0 =	sld [smem:$0x3FAE]  }
0x30: {  	s3 =	sld [smem:$0x3FB1]  }
0x31: {  	[smem:$0x3FBA] =	sst s10  }
0x32: {  	s10 =	sld [smem:$0x3FB8];
	_ =	sdelay $0x3  }
0x33: {  	p0 =	seq.s32 s10, $0x1;
	s10 =	sld [smem:$0x3FBA];
	_ =	sdelay $0x3  }
0x34: {  	[smem:$0x3FBA] =	sst s10  }
0x35: {  	s10 =	sld [smem:$0x3FB9];
	_ =	sdelay $0x3  }
0x36: {  	p1 =	seq.s32 s10, $0x1;
	s10 =	sld [smem:$0x3FBA];
	_ =	sdelay $0x3  }
0x37: {  	[smem:$0x3FBA] =	sst s10  }
0x38: {  	s10 =	sld [smem:$0x3FBB]  }
0x39: {  	_ = 	snop;
	(pc) =	sbr.ind lr, $3  }
0x3a: {  	_ = 	snop  }
0x3b: {  	_ = 	snop  }
0x3c: {  	p2 =	seq.s32 s10, $0x1;
	s10 =	sld [smem:$0x3FBA]  }
0x3d: {  	_ =	shalt  }
0x3e: {  	_ =	shalt  }
0x3f: {  	_ =	shalt  }
0x40: {  	_ =	shalt  }
0x41: {  	_ =	shalt  }
0x42: {  	_ =	shalt  }
0x43: {  	_ =	shalt  }
0x44: {  	_ =	shalt  }
0x45: {  	_ =	shalt  }
0x46: {  	_ =	shalt  }
0x47: {  	_ =	shalt  }
0x48: {  	_ =	shalt  }
0x49: {  	_ =	shalt  }
0x4a: {  	_ =	shalt  }
0x4b: {  	_ =	shalt  }
0x4c: {  	_ =	shalt  }
0x4d: {  	_ =	shalt  }
0x4e: {  	_ =	shalt  }
0x4f: {  	_ =	shalt  }
0x50: {  	_ =	shalt  }
0x51: {  	_ =	shalt  }
0x52: {  	_ =	shalt  }
0x53: {  	_ =	shalt  }
0x54: {  	_ =	shalt  }
0x55: {  	_ =	shalt  }
0x56: {  	_ =	shalt  }
0x57: {  	_ =	shalt  }
0x58: {  	_ =	shalt  }
0x59: {  	_ =	shalt  }
0x5a: {  	_ =	shalt  }
0x5b: {  	_ =	shalt  }
0x5c: {  	_ =	shalt  }
0x5d: {  	_ =	shalt  }
0x5e: {  	_ =	shalt  }
0x5f: {  	_ =	shalt  }
0x60: {  	_ =	shalt  }
0x61: {  	_ =	shalt  }
0x62: {  	_ =	shalt  }
0x63: {  	_ =	shalt  }
0x64: {  	_ =	shalt  }
0x65: {  	_ =	shalt  }
0x66: {  	_ =	shalt  }
0x67: {  	_ =	shalt  }
0x68: {  	_ =	shalt  }
0x69: {  	_ =	shalt  }
0x6a: {  	_ =	shalt  }
0x6b: {  	_ =	shalt  }
0x6c: {  	_ =	shalt  }
0x6d: {  	_ =	shalt  }
0x6e: {  	_ =	shalt  }
0x6f: {  	_ =	shalt  }
0x70: {  	_ =	shalt  }
0x71: {  	_ =	shalt  }
0x72: {  	_ =	shalt  }
0x73: {  	_ =	shalt  }
0x74: {  	_ =	shalt  }
0x75: {  	_ =	shalt  }
0x76: {  	_ =	shalt  }
0x77: {  	_ =	shalt  }
0x78: {  	_ =	shalt  }
0x79: {  	_ =	shalt  }
0x7a: {  	_ =	shalt  }
0x7b: {  	_ =	shalt  }
0x7c: {  	_ =	shalt  }
0x7d: {  	_ =	shalt  }
0x7e: {  	_ =	shalt  }
0x7f: {  	_ =	shalt  }
0x80: {  	_ =	shalt  }
0x81: {  	_ =	shalt  }
0x82: {  	_ =	shalt  }
0x83: {  	_ =	shalt  }
0x84: {  	_ =	shalt  }
0x85: {  	_ =	shalt  }
0x86: {  	_ =	shalt  }
0x87: {  	_ =	shalt  }
.Lfunc_end0:
.L_simem_size_0:
called_computation_lowered:
.L_overlay_start_0:
0x88: {  	s2 =	sld [smem:$0x3FD9]  }
0x89: {  	s3 =	sld [smem:$0x3FFE];
	_ =	sdelay $0x1  }
0x8a: {  	s1 =	srdreg.scid  }
0x8b: {  	s0 =	sand.u32 $0x1, s1  }
0x8c: {  	s17 =	sshll.u32 s0, $0xA;
	s2 =	sadd.s32 s3, s2  }
0x8d: {  	s2 =	sadd.s32 s2, s17  }
0x8e: {  	[smem:$0x3FC6] =	sst s2  }
0x8f: {  	_ = 	snop  }
0x90: {  	s2 =	sld [smem:$0x3FC8]  }
0x91: {  	s18 =	sld [smem:$0x3FD0];
	(tm) =	ssettm $0x1  }
0x92: {  	s4 =	sld [smem:$0x3FFB];
	_ =	sdelay $0x3  }
0x93: {  	_ =	strace s4  }
0x94: {  	s4 =	sld [smem:$0x3FFC];
	_ =	sdelay $0x3  }
0x95: {  	_ =	strace s4  }
0x96: {  	s4 =	sld [smem:$0x3FFD];
	_ =	sdelay $0x3  }
0x97: {  	_ =	strace s4  }
0x98: {  	_ =	strace $0x8FFFFFFF  }
0x99: {  	s19 =	sld [smem:$0x3FDB];
	_ =	sdelay $0x1  }
0x9a: {  	s5 =	simm.s32 $_scs_section_size  }
0x9b: {  	s6 =	simm.s32 $_size__tile_overlayer_lowered;
	s7 =	simm.s32 $_tile_overlayer_lowered  }
0x9c: {  	s22 =	simm.s32 $0x1BFF;
	s21 =	sshll.u32 s7, $0x1;
	s4 =	sadd.s32 s5, s19  }
0x9d: {  	s8 =	simm.s32 $0x0;
	s20 =	sshll.u32 s6, $0x1;
	s6 =	sadd.s32 s21, s4  }
0x9e: {  	[timem:s8], [sflag:s22] =	dma.local [hbm:s6], s20  }
0x9f: {  	_ =	swait.ge [sflag:s22], s20  }
0xa0: {  	s5 =	ssub.s32 $0x0, s20;
	[sflag:s22] =	ssyncset.done $0x0  }
0xa1: {  	[sflag:s22] =	ssyncadd.s32 s5;
	_ =	sdelay $0x1  }
0xa2: {  	s23 =	simm.s32 $0x1B8B  }
0xa3: {  	_ =	swait.ge [sflag:s23], $0x1  }
0xa4: {  	[sflag:s23] =	ssyncset.done $0x0  }
0xa5: {  	s25 =	simm.s32 $0x1B8E;
	s24 =	sld [smem:$0x3FFE];
	[sflag:s23] =	ssyncadd.s32 $0xFFFFFFFF  }
0xa6: {  	s26 =	simm.s32 $execute0_lowered;
	[smem:$0x3FD2] =	sst s25  }
0xa7: {  	s6 =	sshll.u32 s26, $0x1;
	_ =	strace $0x80000046;
	[dreg:$0x1] =	wrdreg $0xFFFFFFFF  }
0xa8: {  	s28 =	simm.s32 $_size_execute0_lowered;
	s4 =	sadd.s32 s4, s6;
	[dreg:$0x0] =	wrdreg $0x0  }
0xa9: {  	s6 =	sshll.u32 s28, $0x1;
	[dreg:$0x2] =	wrdreg s4  }
0xaa: {  	[dreg:$0x3] =	wrdreg s6  }
0xab: {  	[dreg:$0x4] =	wrdreg $0xC0  }
0xac: {  	_ =	task [dreg:s8], $0x5FFFF  }
0xad: {  	[dreg:$0x1] =	wrdreg $0xFFFFFFFF  }
0xae: {  	[dreg:$0x0] =	wrdreg $0x60  }
0xaf: {  	[dreg:$0x2] =	wrdreg s24  }
0xb0: {  	[dreg:$0x3] =	wrdreg s2  }
0xb1: {  	[dreg:$0x4] =	wrdreg s18  }
0xb2: {  	[dreg:$0x5] =	wrdreg $0x28800  }
0xb3: {  	[dreg:$0x6] =	wrdreg $0x23800  }
0xb4: {  	[dreg:$0x7] =	wrdreg $0x9  }
0xb5: {  	_ =	task.clear_ibuf [dreg:s8], $0x8FFFF;
	_ =	strace $0x90000046  }
0xb6: {  	s29 =	simm.s32 $0x9;
	_ =	strace $0x80000048  }
0xb7: {  	_ =	swait.ge [sflag:s29], $0x1  }
0xb8: {  	[sflag:s29] =	ssyncadd.s32 $0xFFFFFFFF  }
0xb9: {  	_ =	strace $0x90000048  }
0xba: {  	_ =	sfence  }
0xbb: {  	s30 =	sld [smem:$0x0];
	_ =	sdelay $0x2  }
0xbc: {  	s31 =	sshll.u32 s1, $0xD;
	s1 =	sshrl.u32 s1, $0x2  }
0xbd: {  	s3 =	sand.u32 $0x4000, s31;
	s1 =	sadd.s32 s1, s30  }
0xbe: {  	s0 =	sor.u32 s3, s0;
	s1 =	sshll.u32 s1, $0x11  }
0xbf: {  	s0 =	sor.u32 s1, s0  }
0xc0: {  	s0 =	sadd.s32 $0x8F2B, s0  }
0xc1: {  	[sflag:s0] =	ssyncadd.remote.s32 $0x1  }
0xc2: {  	_ =	sfence.sel $0xFFFF  }
0xc3: {  	[dreg:$0x0] =	wrdreg $0xFFFFFFFF;
	(pc) =	sbr.abs _section_cstart, $3  }
0xc4: {  	[dreg:$0x1] =	wrdreg $0xFFFFFFFF  }
0xc5: {  	_ =	task.clear_ibuf [dreg:s8], $0x2FFFF;
	_ =	strace $0x9FFFFFFF  }
0xc6: {  	(tm) =	ssettm $0x7FFFFFFF  }
0xc7: {  	_ =	shalt  }
tec
execute0_lowered:
.L_overlay_start_1:
0x0: {  	(tag) =	ssettag $0x1  }
0x1: {  	s0 =	rddreg [dreg:$0x0]  }
0x2: {  	s1 =	rddreg [dreg:$0x1]  }
0x3: {  	s10 =	rddreg [dreg:$0x3]  }
0x4: {  	s4 =	rddreg [dreg:$0x4];
	s2 =	simm.s32 $0x0;
	s12 =	stileid.u32  }
0x5: {  	s3 =	srdreg.scid;
	s13 =	simm.s32 $0x1;
	s14 =	simm.s32 $0x80  }
0x6: {  	s15 =	simm.s32 $0x1000;
	s22 =	simm.s32 $0x400;
	s16 =	simm.s32 $0xB00  }
0x7: {  	s17 =	simm.s32 $0xB80;
	s18 =	simm.s32 $0xC00;
	s19 =	simm.s32 $0xC80  }
0x8: {  	s20 =	simm.s32 $0xD00;
	s21 =	simm.s32 $0xD80;
	s23 =	simm.s32 $0xE00  }
0x9: {  	s24 =	simm.s32 $0xE80;
	s25 =	simm.s32 $0x1580;
	s26 =	simm.s32 $0x1A80  }
0xa: {  	s28 =	simm.s32 $0x0;
	[smem:$0x7FF] =	sst s2;
	s29 =	sshll.u32 s12, $0x9  }
0xb: {  	s3 =	sand.u32 $0x1, s3;
	s6 =	smul.u32 $0x500, s12;
	s5 =	sshrl.u32 s12, $0x3  }
0xc: {  	s8 =	sshll.u32 s12, $0x7;
	_ =	strace $0x80000047;
	s7 =	ssub.s32 $0x2, s3  }
0xd: {  	s5 =	smul.u32 $0x2800, s5;
	s0 =	sadd.s32 s29, s0;
	s8 =	sand.u32 $0x380, s8  }
0xe: {  	v0 =	vimm.s32 $0x0;
	s2 =	sshrl.u32 s29, $0x2;
	s31 =	sor.u32 s12, s3;
	s12 =	simm.s32 $0x1080  }
.Ltmp0:
0xf: {  	v1 =	vimm.s32 $0x1;
	v3 =	vlaneseq.u32;
	v2 =	vimm.f32 $0.0e+00;
	s3 =	simm.s32 $0x900;
	s9 =	sshrl.u32 s7, $0x1;
	(pc) =	sbr.rel .LBB2_1-.Ltmp0, $4  }
0x10: {  	vm1 =	vmmov $0x1;
	vm2 =	vcmask $0x320;
	vm3 =	vcmask $0x720;
	s10 =	sadd.s32 s2, s10;
	p0 =	sne.s32 s31, $0x0;
	s2 =	simm.s32 $0xA00  }
0x11: {  	vm4 =	vcmask $0xB20;
	vm0 =	vmmov $0xff;
	v4 =	vimm.s32 $0x0;
	s11 =	ssub.s32 s7, s9;
	s7 =	sadd.s32 s6, s4;
	s5 =	sor.u32 s8, s5  }
0x12: {  	vm5 =	vcmask $0xF20;
	vm6 =	vcmask $0x1320;
	v4 =	vsel vm0, $0xFFFFFFFF, v4;
	s8 =	sadd.s32 $0x400, s0;
	s30 =	sshrl.u32 s5, $0x3;
	s11 =	smax.u32 s11, $0x1  }
0x13: {  	vm7 =	vcmask $0x1720;
	vm8 =	vcmask $0x1B20;
	v3 =	vmul.u32 $0x40, v3;
	[tilespmem:$0x1FFF0] =	vst v4;
	s5 =	simm.s32 $0xA80;
	s9 =	sadd.s32 s1, s30;
	s1 =	simm.s32 $0x980  }
.LBB2_7:
0x14: {  	s28 =	sadd.s32 $0x1, s28  }
0x15: {  	p1 =	sne.s32 s28, s11  }
.Ltmp1:
0x16: {  	_ = 	snop;
	(pc) =	sbr.rel @!p1 .LBB2_8-.Ltmp1, $1  }
0x17: {  	_ =	sdelay $0x3  }
.LBB2_1:
0x18: {  	s0 =	simm.s32 $0x40;
	s29 =	simm.s32 $0x0  }
.LBB2_2:
0x19: {  	p1 =	sne.s32 s0, $0x13C0;
	[tilespmem:s29+$0x1080] =	vst v0;
	s29 =	smov.u32 s0;
	s0 =	sadd.s32 $0x40, s0  }
.Ltmp2:
0x1a: {  	(pc) =	sbr.rel @p1 .LBB2_2-.Ltmp2, $2  }
0x1b: {  	_ =	sdelay $0x2  }
0x1c: {  	s29 =	sshra.s32 s29, $0x2  }
0x1d: {  	[tilespmem:s29+$0x1080] =	vst v0  }
0x1e: {  	[spmem:s7] =	stream.linear.scatter [tilespmem:s12], [sflag:$0x1], $0x500, $0x38;
	[tilespmem:$0x2890] =	vst v63  }
0x1f: {  	_ =	swait.ge [sflag:s13], $0x500  }
0x20: {  	[sflag:s13] =	ssyncset.done $0x0  }
0x21: {  	[sflag:s13] =	ssyncadd.s32 $0xFFFFFB00  }
0x22: {  	[tilespmem:$0x1000] =	vst v1  }
0x23: {  	[tilespmem:$0x1010] =	vst v1  }
0x24: {  	[tilespmem:$0x1020] =	vst v1  }
0x25: {  	[tilespmem:$0x1030] =	vst v1  }
0x26: {  	[tilespmem:$0x1040] =	vst v1  }
0x27: {  	[tilespmem:$0x1050] =	vst v1  }
0x28: {  	[tilespmem:$0x1060] =	vst v1  }
0x29: {  	[tilespmem:$0x1070] =	vst v1  }
0x2a: {  	s0 =	simm.s32 $0x0;
	[bflag:$0x0] =	sbarrier.arrive $0xFFFF  }
0x2b: {  	[tilespmem:s0], [sflag:$0x1] =	stream.linear.gather [hbm4b:s8+s0], $0xF00, $0x38;
	[tilespmem:$0x2890] =	vst v63  }
0x2c: {  	_ =	swait.ge [sflag:s13], $0xF00  }
0x2d: {  	[sflag:s13] =	ssyncset.done $0x0  }
0x2e: {  	[sflag:s13] =	ssyncadd.s32 $0xFFFFF100  }
0x2f: {  	[spmem:s4] =	stream.indirect.scatter.add.s32 [tilespmem:s15], [sflag:$0x1], $0x1, s0, s14, $0xb8;
	[tilespmem:$0x2890] =	vst v63  }
0x30: {  	_ =	swait.ge [sflag:s13], $0x80  }
0x31: {  	[sflag:s13] =	ssyncset.done $0x0  }
0x32: {  	[sflag:s13] =	ssyncadd.s32 $0xFFFFFF80  }
0x33: {  	[spmem:s4] =	stream.indirect.scatter.add.s32 [tilespmem:s15], [sflag:$0x1], $0x1, s14, s14, $0xb8;
	[tilespmem:$0x2890] =	vst v63  }
0x34: {  	_ =	swait.ge [sflag:s13], $0x80  }
0x35: {  	[sflag:s13] =	ssyncset.done $0x0  }
0x36: {  	s0 =	simm.s32 $0x100;
	[sflag:s13] =	ssyncadd.s32 $0xFFFFFF80  }
0x37: {  	[spmem:s4] =	stream.indirect.scatter.add.s32 [tilespmem:s15], [sflag:$0x1], $0x1, s0, s14, $0xb8;
	[tilespmem:$0x2890] =	vst v63  }
0x38: {  	_ =	swait.ge [sflag:s13], $0x80  }
0x39: {  	[sflag:s13] =	ssyncset.done $0x0  }
0x3a: {  	s0 =	simm.s32 $0x180;
	[sflag:s13] =	ssyncadd.s32 $0xFFFFFF80  }
0x3b: {  	[spmem:s4] =	stream.indirect.scatter.add.s32 [tilespmem:s15], [sflag:$0x1], $0x1, s0, s14, $0xb8;
	[tilespmem:$0x2890] =	vst v63  }
0x3c: {  	_ =	swait.ge [sflag:s13], $0x80  }
0x3d: {  	[sflag:s13] =	ssyncset.done $0x0  }
0x3e: {  	s0 =	simm.s32 $0x200;
	[sflag:s13] =	ssyncadd.s32 $0xFFFFFF80  }
0x3f: {  	[spmem:s4] =	stream.indirect.scatter.add.s32 [tilespmem:s15], [sflag:$0x1], $0x1, s0, s14, $0xb8;
	[tilespmem:$0x2890] =	vst v63  }
0x40: {  	_ =	swait.ge [sflag:s13], $0x80  }
0x41: {  	[sflag:s13] =	ssyncset.done $0x0  }
0x42: {  	s0 =	simm.s32 $0x280;
	[sflag:s13] =	ssyncadd.s32 $0xFFFFFF80  }
0x43: {  	[spmem:s4] =	stream.indirect.scatter.add.s32 [tilespmem:s15], [sflag:$0x1], $0x1, s0, s14, $0xb8;
	[tilespmem:$0x2890] =	vst v63  }
0x44: {  	_ =	swait.ge [sflag:s13], $0x80  }
0x45: {  	[sflag:s13] =	ssyncset.done $0x0  }
0x46: {  	s0 =	simm.s32 $0x300;
	[sflag:s13] =	ssyncadd.s32 $0xFFFFFF80  }
0x47: {  	[spmem:s4] =	stream.indirect.scatter.add.s32 [tilespmem:s15], [sflag:$0x1], $0x1, s0, s14, $0xb8;
	[tilespmem:$0x2890] =	vst v63  }
0x48: {  	_ =	swait.ge [sflag:s13], $0x80  }
0x49: {  	[sflag:s13] =	ssyncset.done $0x0  }
0x4a: {  	s0 =	simm.s32 $0x380;
	[sflag:s13] =	ssyncadd.s32 $0xFFFFFF80  }
0x4b: {  	[spmem:s4] =	stream.indirect.scatter.add.s32 [tilespmem:s15], [sflag:$0x1], $0x1, s0, s14, $0xb8;
	[tilespmem:$0x2890] =	vst v63  }
0x4c: {  	_ =	swait.ge [sflag:s13], $0x80  }
0x4d: {  	[sflag:s13] =	ssyncset.done $0x0  }
0x4e: {  	[sflag:s13] =	ssyncadd.s32 $0xFFFFFF80  }
0x4f: {  	[spmem:s4] =	stream.indirect.scatter.add.s32 [tilespmem:s15], [sflag:$0x1], $0x1, s22, s14, $0xb8;
	[tilespmem:$0x2890] =	vst v63  }
0x50: {  	_ =	swait.ge [sflag:s13], $0x80  }
0x51: {  	[sflag:s13] =	ssyncset.done $0x0  }
0x52: {  	s0 =	simm.s32 $0x480;
	[sflag:s13] =	ssyncadd.s32 $0xFFFFFF80  }
0x53: {  	[spmem:s4] =	stream.indirect.scatter.add.s32 [tilespmem:s15], [sflag:$0x1], $0x1, s0, s14, $0xb8;
	[tilespmem:$0x2890] =	vst v63  }
0x54: {  	_ =	swait.ge [sflag:s13], $0x80  }
0x55: {  	[sflag:s13] =	ssyncset.done $0x0  }
0x56: {  	s0 =	simm.s32 $0x500;
	[sflag:s13] =	ssyncadd.s32 $0xFFFFFF80  }
0x57: {  	[spmem:s4] =	stream.indirect.scatter.add.s32 [tilespmem:s15], [sflag:$0x1], $0x1, s0, s14, $0xb8;
	[tilespmem:$0x2890] =	vst v63  }
0x58: {  	_ =	swait.ge [sflag:s13], $0x80  }
0x59: {  	[sflag:s13] =	ssyncset.done $0x0  }
0x5a: {  	s0 =	simm.s32 $0x580;
	[sflag:s13] =	ssyncadd.s32 $0xFFFFFF80  }
0x5b: {  	[spmem:s4] =	stream.indirect.scatter.add.s32 [tilespmem:s15], [sflag:$0x1], $0x1, s0, s14, $0xb8;
	[tilespmem:$0x2890] =	vst v63  }
0x5c: {  	_ =	swait.ge [sflag:s13], $0x80  }
0x5d: {  	[sflag:s13] =	ssyncset.done $0x0  }
0x5e: {  	s0 =	simm.s32 $0x600;
	[sflag:s13] =	ssyncadd.s32 $0xFFFFFF80  }
0x5f: {  	[spmem:s4] =	stream.indirect.scatter.add.s32 [tilespmem:s15], [sflag:$0x1], $0x1, s0, s14, $0xb8;
	[tilespmem:$0x2890] =	vst v63  }
0x60: {  	_ =	swait.ge [sflag:s13], $0x80  }
0x61: {  	[sflag:s13] =	ssyncset.done $0x0  }
0x62: {  	s0 =	simm.s32 $0x680;
	[sflag:s13] =	ssyncadd.s32 $0xFFFFFF80  }
0x63: {  	[spmem:s4] =	stream.indirect.scatter.add.s32 [tilespmem:s15], [sflag:$0x1], $0x1, s0, s14, $0xb8;
	[tilespmem:$0x2890] =	vst v63  }
0x64: {  	_ =	swait.ge [sflag:s13], $0x80  }
0x65: {  	[sflag:s13] =	ssyncset.done $0x0  }
0x66: {  	s0 =	simm.s32 $0x700;
	[sflag:s13] =	ssyncadd.s32 $0xFFFFFF80  }
0x67: {  	[spmem:s4] =	stream.indirect.scatter.add.s32 [tilespmem:s15], [sflag:$0x1], $0x1, s0, s14, $0xb8;
	[tilespmem:$0x2890] =	vst v63  }
0x68: {  	_ =	swait.ge [sflag:s13], $0x80  }
0x69: {  	[sflag:s13] =	ssyncset.done $0x0  }
0x6a: {  	s0 =	simm.s32 $0x780;
	[sflag:s13] =	ssyncadd.s32 $0xFFFFFF80  }
0x6b: {  	[spmem:s4] =	stream.indirect.scatter.add.s32 [tilespmem:s15], [sflag:$0x1], $0x1, s0, s14, $0xb8;
	[tilespmem:$0x2890] =	vst v63  }
0x6c: {  	_ =	swait.ge [sflag:s13], $0x80  }
0x6d: {  	[sflag:s13] =	ssyncset.done $0x0  }
0x6e: {  	s0 =	simm.s32 $0x800;
	[sflag:s13] =	ssyncadd.s32 $0xFFFFFF80  }
0x6f: {  	[spmem:s4] =	stream.indirect.scatter.add.s32 [tilespmem:s15], [sflag:$0x1], $0x1, s0, s14, $0xb8;
	[tilespmem:$0x2890] =	vst v63  }
0x70: {  	_ =	swait.ge [sflag:s13], $0x80  }
0x71: {  	[sflag:s13] =	ssyncset.done $0x0  }
0x72: {  	s0 =	simm.s32 $0x880;
	[sflag:s13] =	ssyncadd.s32 $0xFFFFFF80  }
0x73: {  	[spmem:s4] =	stream.indirect.scatter.add.s32 [tilespmem:s15], [sflag:$0x1], $0x1, s0, s14, $0xb8;
	[tilespmem:$0x2890] =	vst v63  }
0x74: {  	_ =	swait.ge [sflag:s13], $0x80  }
0x75: {  	[sflag:s13] =	ssyncset.done $0x0  }
0x76: {  	[sflag:s13] =	ssyncadd.s32 $0xFFFFFF80  }
0x77: {  	[spmem:s4] =	stream.indirect.scatter.add.s32 [tilespmem:s15], [sflag:$0x1], $0x1, s3, s14, $0xb8;
	[tilespmem:$0x2890] =	vst v63  }
0x78: {  	_ =	swait.ge [sflag:s13], $0x80  }
0x79: {  	[sflag:s13] =	ssyncset.done $0x0  }
0x7a: {  	[sflag:s13] =	ssyncadd.s32 $0xFFFFFF80  }
0x7b: {  	[spmem:s4] =	stream.indirect.scatter.add.s32 [tilespmem:s15], [sflag:$0x1], $0x1, s1, s14, $0xb8;
	[tilespmem:$0x2890] =	vst v63  }
0x7c: {  	_ =	swait.ge [sflag:s13], $0x80  }
0x7d: {  	[sflag:s13] =	ssyncset.done $0x0  }
0x7e: {  	[sflag:s13] =	ssyncadd.s32 $0xFFFFFF80  }
0x7f: {  	[spmem:s4] =	stream.indirect.scatter.add.s32 [tilespmem:s15], [sflag:$0x1], $0x1, s2, s14, $0xb8;
	[tilespmem:$0x2890] =	vst v63  }
0x80: {  	_ =	swait.ge [sflag:s13], $0x80  }
0x81: {  	[sflag:s13] =	ssyncset.done $0x0  }
0x82: {  	[sflag:s13] =	ssyncadd.s32 $0xFFFFFF80  }
0x83: {  	[spmem:s4] =	stream.indirect.scatter.add.s32 [tilespmem:s15], [sflag:$0x1], $0x1, s5, s14, $0xb8;
	[tilespmem:$0x2890] =	vst v63  }
0x84: {  	_ =	swait.ge [sflag:s13], $0x80  }
0x85: {  	[sflag:s13] =	ssyncset.done $0x0  }
0x86: {  	[sflag:s13] =	ssyncadd.s32 $0xFFFFFF80  }
0x87: {  	[spmem:s4] =	stream.indirect.scatter.add.s32 [tilespmem:s15], [sflag:$0x1], $0x1, s16, s14, $0xb8;
	[tilespmem:$0x2890] =	vst v63  }
0x88: {  	_ =	swait.ge [sflag:s13], $0x80  }
0x89: {  	[sflag:s13] =	ssyncset.done $0x0  }
0x8a: {  	[sflag:s13] =	ssyncadd.s32 $0xFFFFFF80  }
0x8b: {  	[spmem:s4] =	stream.indirect.scatter.add.s32 [tilespmem:s15], [sflag:$0x1], $0x1, s17, s14, $0xb8;
	[tilespmem:$0x2890] =	vst v63  }
0x8c: {  	_ =	swait.ge [sflag:s13], $0x80  }
0x8d: {  	[sflag:s13] =	ssyncset.done $0x0  }
0x8e: {  	[sflag:s13] =	ssyncadd.s32 $0xFFFFFF80  }
0x8f: {  	[spmem:s4] =	stream.indirect.scatter.add.s32 [tilespmem:s15], [sflag:$0x1], $0x1, s18, s14, $0xb8;
	[tilespmem:$0x2890] =	vst v63  }
0x90: {  	_ =	swait.ge [sflag:s13], $0x80  }
0x91: {  	[sflag:s13] =	ssyncset.done $0x0  }
0x92: {  	[sflag:s13] =	ssyncadd.s32 $0xFFFFFF80  }
0x93: {  	[spmem:s4] =	stream.indirect.scatter.add.s32 [tilespmem:s15], [sflag:$0x1], $0x1, s19, s14, $0xb8;
	[tilespmem:$0x2890] =	vst v63  }
0x94: {  	_ =	swait.ge [sflag:s13], $0x80  }
0x95: {  	[sflag:s13] =	ssyncset.done $0x0  }
0x96: {  	[sflag:s13] =	ssyncadd.s32 $0xFFFFFF80  }
0x97: {  	[spmem:s4] =	stream.indirect.scatter.add.s32 [tilespmem:s15], [sflag:$0x1], $0x1, s20, s14, $0xb8;
	[tilespmem:$0x2890] =	vst v63  }
0x98: {  	_ =	swait.ge [sflag:s13], $0x80  }
0x99: {  	[sflag:s13] =	ssyncset.done $0x0  }
0x9a: {  	[sflag:s13] =	ssyncadd.s32 $0xFFFFFF80  }
0x9b: {  	[spmem:s4] =	stream.indirect.scatter.add.s32 [tilespmem:s15], [sflag:$0x1], $0x1, s21, s14, $0xb8;
	[tilespmem:$0x2890] =	vst v63  }
0x9c: {  	_ =	swait.ge [sflag:s13], $0x80  }
0x9d: {  	[sflag:s13] =	ssyncset.done $0x0  }
0x9e: {  	[sflag:s13] =	ssyncadd.s32 $0xFFFFFF80  }
0x9f: {  	[spmem:s4] =	stream.indirect.scatter.add.s32 [tilespmem:s15], [sflag:$0x1], $0x1, s23, s14, $0xb8;
	[tilespmem:$0x2890] =	vst v63  }
0xa0: {  	_ =	swait.ge [sflag:s13], $0x80  }
0xa1: {  	[sflag:s13] =	ssyncset.done $0x0  }
0xa2: {  	[sflag:s13] =	ssyncadd.s32 $0xFFFFFF80  }
0xa3: {  	[spmem:s4] =	stream.indirect.scatter.add.s32 [tilespmem:s15], [sflag:$0x1], $0x1, s24, s14, $0xb8;
	[tilespmem:$0x2890] =	vst v63  }
0xa4: {  	_ =	swait.ge [sflag:s13], $0x80  }
0xa5: {  	[sflag:s13] =	ssyncset.done $0x0  }
0xa6: {  	[sflag:s13] =	ssyncadd.s32 $0xFFFFFF80  }
0xa7: {  	[bflag:$0x0] =	sbarrier.arrive $0xFFFF  }
0xa8: {  	[tilespmem:s12], [sflag:$0x1] =	stream.linear.gather [spmem:s7], $0x500, $0x38;
	[tilespmem:$0x2890] =	vst v63  }
0xa9: {  	_ =	swait.ge [sflag:s13], $0x500  }
0xaa: {  	[sflag:s13] =	ssyncset.done $0x0  }
0xab: {  	[sflag:s13] =	ssyncadd.s32 $0xFFFFFB00  }
0xac: {  	[tilespmem:s25], [sflag:$0x1] =	stream.strided.gather [hbm4b:s9+s14], $0x500, s22, s14, $0x38;
	[tilespmem:$0x2890] =	vst v63  }
0xad: {  	_ =	swait.ge [sflag:s13], $0x500  }
0xae: {  	[sflag:s13] =	ssyncset.done $0x0  }
0xaf: {  	s0 =	simm.s32 $0x0;
	[sflag:s13] =	ssyncadd.s32 $0xFFFFFB00  }
0xb0: {  	v4 =	vld [tilespmem:s0+$0x1580]  }
0xb1: {  	v5 =	vld [tilespmem:s0+$0x1080]  }
0xb2: {  	v6 =	vmov s6  }
0xb3: {  	v7 =	vshll.u32 v6, $0x6  }
0xb4: {  	v7 =	vor.u32 v3, v7  }
0xb5: {  	v8 =	vimm.f32 $0.0e+00;
	s30 =	sadd.s32 $0x10, s6;
	vm15 =	vlt.u32 v6, $0x4E20;
	v7 =	vadd.s32 v7, v4  }
0xb6: {  	v18 =	vmov s30;
	s0 =	simm.s32 $0x10;
	vm14 =	vgt.s32 v5, $0x0;
	v5 =	vcvt.s32.f32 v7  }
0xb7: {  	v14 =	vld [tilespmem:s0+$0x1580];
	vm13 =	veq.s32 v4, $0x0;
	vm10 =	veq.s32 v4, $0x1;
	vm14 =	vmand vm15, vm14  }
0xb8: {  	vm11 =	veq.s32 v4, $0x3;
	vm12 =	veq.s32 v4, $0x5;
	v5 =	vnsel vm14, $0xBF800000, v5  }
0xb9: {  	vm9 =	veq.s32 v4, $0x6;
	vm0 =	veq.s32 v4, $0x7;
	v6 =	vsel vm14, $0x3F800000, v2;
	(xrf0) =	vmax.scan.msk.f32 $0xffff, v5  }
0xba: {  	vm15 =	veq.s32 v4, $0x2;
	vm14 =	veq.s32 v4, $0x4;
	v4 =	vnsel vm13, $0x0, v6  }
0xbb: {  	v7 =	vnsel vm15, $0x0, v6;
	v9 =	vnsel vm11, $0x0, v6;
	v13 =	vnsel vm12, $0x0, v6  }
0xbc: {  	v15 =	vnsel vm9, $0x0, v6;
	v16 =	vnsel vm0, $0x0, v6;
	vm0 =	veq.s32 v14, $0x0  }
0xbd: {  	v17 =	vld [tilespmem:s0+$0x1080];
	vm9 =	veq.s32 v14, $0x1;
	vm11 =	vlt.u32 v18, $0x4E20;
	vm12 =	veq.s32 v14, $0x3  }
0xbe: {  	v5 =	vnsel vm10, $0x0, v6;
	v12 =	vnsel vm14, $0x0, v6;
	v6 =	vadd.f32 v13, v8  }
0xbf: {  	v10 =	vadd.f32 v5, v8;
	v5 =	vadd.f32 v12, v8;
	v12 =	vshll.u32 v18, $0x6;
	v13, _, _ =	vpop (xrf0)  }
0xc0: {  	vm15 =	veq.s32 v14, $0x4;
	v12 =	vor.u32 v3, v12;
	(v2sf) =	vpush v13, $0xF  }
0xc1: {  	vm13 =	veq.s32 v14, $0x7;
	v4 =	vadd.f32 v4, v8;
	v12 =	vadd.s32 v12, v14  }
0xc2: {  	v11 =	vadd.f32 v7, v8;
	vm10 =	vgt.s32 v17, $0x0;
	v13 =	vcvt.s32.f32 v12  }
0xc3: {  	v9 =	vadd.f32 v9, v8;
	v7 =	vadd.f32 v15, v8;
	vm10 =	vmand vm11, vm10  }
0xc4: {  	vm14 =	veq.s32 v14, $0x6;
	v12 =	vsel vm10, $0x3F800000, v2;
	v13 =	vnsel vm10, $0xBF800000, v13  }
0xc5: {  	v8 =	vadd.f32 v16, v8;
	vm11 =	veq.s32 v14, $0x2;
	v18 =	vnsel vm0, $0x0, v12;
	(xrf0) =	vmax.scan.msk.f32 $0xffff, v13  }
0xc6: {  	v15 =	vnsel vm9, $0x0, v12;
	v16 =	vnsel vm11, $0x0, v12;
	vm10 =	veq.s32 v14, $0x5  }
0xc7: {  	s29 =	simm.f32 $-1.000000000e+00;
	s31 =	simm.s32 $0xC0;
	s0 =	simm.s32 $0x20;
	v17 =	vnsel vm12, $0x0, v12;
	v14 =	vnsel vm15, $0x0, v12;
	v13 =	vnsel vm10, $0x0, v12  }
.LBB2_4:
0xc8: {  	p1 =	sne.s32 s31, $0x13C0;
	v19 =	vld [tilespmem:s0+$0x1580];
	v4 =	vadd.f32 v18, v4;
	v18 =	vnsel vm14, $0x0, v12;
	v12 =	vnsel vm13, $0x0, v12  }
0xc9: {  	v10 =	vadd.f32 v15, v10;
	v11 =	vadd.f32 v16, v11;
	s30 =	sadd.s32 $0x10, s30;
	v20 =	vld [tilespmem:s0+$0x1080]  }
0xca: {  	v9 =	vadd.f32 v17, v9;
	v5 =	vadd.f32 v14, v5;
	v15 =	vmov s30  }
0xcb: {  	v6 =	vadd.f32 v13, v6;
	v7 =	vadd.f32 v18, v7;
	v14 =	vshll.u32 v15, $0x6;
	v13, _, _ =	vpop (xrf0)  }
0xcc: {  	v8 =	vadd.f32 v12, v8;
	v14 =	vor.u32 v3, v14;
	(v2sf) =	vpush v13, $0xF  }
0xcd: {  	vm0 =	veq.s32 v19, $0x0;
	vm9 =	veq.s32 v19, $0x1;
	v12 =	vadd.s32 v14, v19  }
0xce: {  	vm11 =	vlt.u32 v15, $0x4E20;
	vm10 =	vgt.s32 v20, $0x0;
	v13 =	vcvt.s32.f32 v12  }
.Ltmp3:
0xcf: {  	vm12 =	veq.s32 v19, $0x3;
	vm10 =	vmand vm11, vm10;
	vm11 =	veq.s32 v19, $0x2;
	s0 =	spop (v2sf);
	(pc) =	sbr.rel @p1 .LBB2_4-.Ltmp3, $4  }
0xd0: {  	vm15 =	veq.s32 v19, $0x4;
	v12 =	vsel vm10, $0x3F800000, v2;
	v13 =	vnsel vm10, $0xBF800000, v13;
	s29 =	smax.f32 s29, s0  }
0xd1: {  	vm14 =	veq.s32 v19, $0x6;
	vm13 =	veq.s32 v19, $0x7;
	vm10 =	veq.s32 v19, $0x5;
	(xrf0) =	vmax.scan.msk.f32 $0xffff, v13  }
0xd2: {  	v18 =	vnsel vm0, $0x0, v12;
	v15 =	vnsel vm9, $0x0, v12;
	v16 =	vnsel vm11, $0x0, v12  }
0xd3: {  	s0 =	sshra.s32 s31, $0x2;
	s31 =	sadd.s32 $0x40, s31;
	v17 =	vnsel vm12, $0x0, v12;
	v14 =	vnsel vm15, $0x0, v12;
	v13 =	vnsel vm10, $0x0, v12  }
0xd4: {  	v19 =	vld [tilespmem:s0+$0x1580]  }
0xd5: {  	v20 =	vld [tilespmem:s0+$0x1080];
	s30 =	sadd.s32 $0x10, s30  }
0xd6: {  	v21 =	vmov s30  }
0xd7: {  	v22 =	vshll.u32 v21, $0x6  }
0xd8: {  	v22 =	vor.u32 v3, v22  }
0xd9: {  	v22 =	vadd.s32 v22, v19  }
0xda: {  	vm9 =	vlt.u32 v21, $0x4E20;
	vm0 =	vgt.s32 v20, $0x0;
	v42 =	vcvt.s32.f32 v22  }
0xdb: {  	vm0 =	vmand vm9, vm0  }
0xdc: {  	v20 =	vnsel vm0, $0xBF800000, v42  }
0xdd: {  	(xrf0) =	vmax.scan.msk.f32 $0xffff, v20;
	_ =	sdelay $0x4  }
0xde: {  	v4 =	vadd.f32 v18, v4;
	v10 =	vadd.f32 v15, v10;
	v43, _, _ =	vpop (xrf0)  }
0xdf: {  	v11 =	vadd.f32 v16, v11;
	(v2sf) =	vpush v43, $0xF;
	v44, _, _ =	vpop (xrf0)  }
0xe0: {  	v45 =	vnsel vm14, $0x0, v12;
	v9 =	vadd.f32 v17, v9;
	(v2sf) =	vpush v44, $0xF  }
0xe1: {  	v46 =	vnsel vm13, $0x0, v12;
	v5 =	vadd.f32 v14, v5;
	v6 =	vadd.f32 v13, v6  }
0xe2: {  	v7 =	vadd.f32 v45, v7;
	v47 =	vsel vm0, $0x3F800000, v2;
	vm0 =	veq.s32 v19, $0x0  }
0xe3: {  	v8 =	vadd.f32 v46, v8;
	v48 =	vnsel vm0, $0x0, v47;
	vm0 =	veq.s32 v19, $0x1  }
0xe4: {  	v49 =	vnsel vm0, $0x0, v47;
	vm0 =	veq.s32 v19, $0x2;
	v4 =	vadd.f32 v48, v4  }
0xe5: {  	v50 =	vnsel vm0, $0x0, v47;
	vm0 =	veq.s32 v19, $0x3;
	v10 =	vadd.f32 v49, v10  }
0xe6: {  	v51 =	vnsel vm0, $0x0, v47;
	vm0 =	veq.s32 v19, $0x4;
	v11 =	vadd.f32 v50, v11;
	(xrf2) =	vadd.scan.msk.f32 $0xffff, v4  }
0xe7: {  	v4 =	vnsel vm0, $0x0, v47;
	vm0 =	veq.s32 v19, $0x5;
	v9 =	vadd.f32 v51, v9;
	(xrf2) =	vadd.scan.msk.f32 $0xffff, v10  }
0xe8: {  	v52 =	vnsel vm0, $0x0, v47;
	vm0 =	veq.s32 v19, $0x6;
	v4 =	vadd.f32 v4, v5;
	(xrf2) =	vadd.scan.msk.f32 $0xffff, v11  }
0xe9: {  	v5 =	vnsel vm0, $0x0, v47;
	vm0 =	veq.s32 v19, $0x7;
	v6 =	vadd.f32 v52, v6;
	(xrf2) =	vadd.scan.msk.f32 $0xffff, v9  }
0xea: {  	v53 =	vnsel vm0, $0x0, v47;
	v5 =	vadd.f32 v5, v7;
	(xrf2) =	vadd.scan.msk.f32 $0xffff, v4  }
0xeb: {  	v4 =	vadd.f32 v53, v8;
	(xrf2) =	vadd.scan.msk.f32 $0xffff, v6  }
0xec: {  	(xrf2) =	vadd.scan.msk.f32 $0xffff, v5  }
0xed: {  	s31 =	spop (v2sf);
	(xrf2) =	vadd.scan.msk.f32 $0xffff, v4  }
0xee: {  	s0 =	smax.f32 s29, s31;
	s30 =	spop (v2sf)  }
0xef: {  	s0 =	smax.f32 s0, s30;
	s31 =	spop (v2sf)  }
0xf0: {  	v4, _, _ =	vpop (xrf2);
	s0 =	smax.f32 s0, s31  }
0xf1: {  	vm0 =	vcmask $0x2320;
	v5, _, _ =	vpop (xrf2);
	v4 =	vbroadcast v4, $0xF;
	v54 =	vmov s0  }
0xf2: {  	v55, _, _ =	vpop (xrf2);
	v5 =	vbroadcast v5, $0xF;
	v6 =	vnsel vm0, $0x0, v54  }
0xf3: {  	v56, _, _ =	vpop (xrf2);
	v57 =	vbroadcast v55, $0xF;
	v4 =	vsel vm1, v4, v6  }
0xf4: {  	v58, _, _ =	vpop (xrf2);
	v4 =	vsel vm2, v4, v5;
	v5 =	vbroadcast v56, $0xF  }
0xf5: {  	v59, _, _ =	vpop (xrf2);
	v60 =	vbroadcast v58, $0xF;
	v4 =	vsel vm3, v4, v57  }
0xf6: {  	v61, _, _ =	vpop (xrf2);
	v4 =	vsel vm4, v4, v5;
	v5 =	vbroadcast v59, $0xF  }
0xf7: {  	v62 =	vbroadcast v61, $0xF;
	v63, _, _ =	vpop (xrf2);
	v4 =	vsel vm5, v4, v60  }
0xf8: {  	v4 =	vsel vm6, v4, v5;
	v5 =	vbroadcast v63, $0xF  }
0xf9: {  	v4 =	vsel vm7, v4, v62  }
0xfa: {  	v4 =	vsel vm8, v4, v5  }
0xfb: {  	[tilespmem:$0x1A80] =	vst v4  }
0xfc: {  	[spmem:s10] =	stream.linear.scatter [tilespmem:s26], [sflag:$0x1], $0x80, $0x38;
	[tilespmem:$0x2890] =	vst v63  }
.Ltmp4:
0xfd: {  	_ =	swait.ge [sflag:s13], $0x80;
	(pc) =	sbr.rel @p0 .LBB2_7-.Ltmp4, $3  }
0xfe: {  	[sflag:s13] =	ssyncset.done $0x0  }
0xff: {  	[sflag:s13] =	ssyncadd.s32 $0xFFFFFF80  }
0x100: {  	[bflag:$0x0] =	sbarrier.arrive $0xFFFF;
	_ =	sdelay $0x1  }
0x101: {  	s0 =	rddreg [dreg:$0x3];
	s29 =	simm.s32 $0x1B00  }
0x102: {  	[tilespmem:s29], [sflag:$0x1] =	stream.linear.gather [spmem:s0], $0x800, $0x38;
	[tilespmem:$0x2890] =	vst v63  }
0x103: {  	_ =	swait.ge [sflag:s13], $0x800  }
0x104: {  	[sflag:s13] =	ssyncset.done $0x0  }
0x105: {  	[sflag:s13] =	ssyncadd.s32 $0xFFFFF800  }
0x106: {  	v4 =	vld [tilespmem:$0x1B00];
	_ =	sdelay $0x1  }
0x107: {  	v5 =	vld [tilespmem:$0x1B80];
	_ =	sdelay $0x1  }
0x108: {  	v6 =	vld [tilespmem:$0x1C00]  }
0x109: {  	v7 =	vadd.f32 $0.0e+00, v4  }
0x10a: {  	v8 =	vld [tilespmem:$0x1C80]  }
0x10b: {  	v7 =	vadd.f32 v5, v7  }
0x10c: {  	v9 =	vld [tilespmem:$0x1D00]  }
0x10d: {  	v7 =	vadd.f32 v6, v7  }
0x10e: {  	v10 =	vld [tilespmem:$0x1D80]  }
0x10f: {  	v7 =	vadd.f32 v8, v7  }
0x110: {  	v11 =	vld [tilespmem:$0x1E00]  }
0x111: {  	v7 =	vadd.f32 v9, v7  }
0x112: {  	v12 =	vld [tilespmem:$0x1E80]  }
0x113: {  	v7 =	vadd.f32 v10, v7  }
0x114: {  	v13 =	vld [tilespmem:$0x1F00]  }
0x115: {  	v7 =	vadd.f32 v11, v7  }
0x116: {  	v14 =	vld [tilespmem:$0x1F80]  }
0x117: {  	v7 =	vadd.f32 v12, v7  }
0x118: {  	v15 =	vld [tilespmem:$0x2000]  }
0x119: {  	v7 =	vadd.f32 v13, v7  }
0x11a: {  	v16 =	vld [tilespmem:$0x2080];
	v4 =	vmax.f32 v4, $-1.000000000e+00  }
0x11b: {  	v4 =	vmax.f32 v4, v5;
	v5 =	vadd.f32 v14, v7  }
0x11c: {  	v59 =	vld [tilespmem:$0x2100];
	v4 =	vmax.f32 v4, v6  }
0x11d: {  	v4 =	vmax.f32 v4, v8;
	v5 =	vadd.f32 v15, v5  }
0x11e: {  	v60 =	vld [tilespmem:$0x2180];
	v4 =	vmax.f32 v4, v9  }
0x11f: {  	v4 =	vmax.f32 v4, v10;
	v5 =	vadd.f32 v16, v5  }
0x120: {  	v61 =	vld [tilespmem:$0x2200];
	v4 =	vmax.f32 v4, v11  }
0x121: {  	v4 =	vmax.f32 v4, v12;
	v5 =	vadd.f32 v59, v5  }
0x122: {  	v62 =	vld [tilespmem:$0x2280];
	v4 =	vmax.f32 v4, v13  }
0x123: {  	v63 =	vld [tilespmem:$0x1FFF0];
	v4 =	vmax.f32 v4, v14;
	v5 =	vadd.f32 v60, v5  }
0x124: {  	v4 =	vmax.f32 v4, v15  }
0x125: {  	v4 =	vmax.f32 v4, v16;
	v5 =	vadd.f32 v61, v5  }
0x126: {  	v4 =	vmax.f32 v4, v59  }
0x127: {  	v4 =	vmax.f32 v4, v60;
	v5 =	vadd.f32 v62, v5  }
0x128: {  	vm0 =	vnez.u8 v63;
	v4 =	vmax.f32 v4, v61  }
0x129: {  	v4 =	vmax.f32 v4, v62;
	v5 =	vnsel vm0, $0x0, v5;
	vm0 =	vcmask $0x1F24  }
0x12a: {  	(xrf0) =	vmax.scan.msk.f32 $0xffff, v5;
	v4 =	vsel vm0, $0xBF800000, v4  }
0x12b: {  	(xrf0) =	vmax.scan.msk.f32 $0xffff, v4;
	_ =	sdelay $0x4  }
0x12c: {  	v4, _, _ =	vpop (xrf0)  }
0x12d: {  	(v2sf) =	vpush v4, $0xF;
	v4, _, _ =	vpop (xrf0)  }
0x12e: {  	(v2sf) =	vpush v4, $0xF;
	_ =	sdelay $0xd  }
0x12f: {  	s30 =	spop (v2sf)  }
0x130: {  	s31 =	spop (v2sf)  }
0x131: {  	s0 =	scvt.f32.s32 s30;
	s29 =	scvt.f32.s32 s31  }
0x132: {  	_ = 	snop  }
0x133: {  	vm0 =	vcmask $0x300;
	v4 =	vmov s0;
	s29 =	sand.u32 $0x3F, s29  }
0x134: {  	v4 =	vnsel vm0, $0x0, v4;
	vm0 =	vcmask $0x704;
	s30 =	sadd.s32 $0x1, s29  }
0x135: {  	s31 =	simm.s32 $0x0;
	v4 =	vsel vm0, s30, v4  }
.Ltmp5:
0x136: {  	s0 =	rddreg [dreg:$0x2];
	s30 =	simm.s32 $0x2300;
	[tilespmem:$0x2300] =	vst v4;
	(pc) =	sbr.rel .LBB2_7-.Ltmp5, $4  }
0x137: {  	[hbm4b:s0+s31] =	stream.linear.scatter [tilespmem:s30], [sflag:$0x1], $0x80, $0x38;
	[tilespmem:$0x2890] =	vst v63  }
0x138: {  	_ =	swait.ge [sflag:s13], $0x80  }
0x139: {  	[sflag:s13] =	ssyncset.done $0x0  }
0x13a: {  	[sflag:s13] =	ssyncadd.s32 $0xFFFFFF80  }
.LBB2_8:
0x13b: {  	_ =	sfence.sel $0x180000  }
0x13c: {  	[bflag:$0x0] =	sbarrier.arrive $0xFFFF  }
0x13d: {  	_ =	strace $0x90000047  }
0x13e: {  	s0 =	stileid.u32;
	[bflag:$0x2] =	sbarrier.arrive $0xFFFF  }
0x13f: {  	p0 =	sne.s32 s0, $0x0;
	s0 =	rddreg [dreg:$0x5]  }
0x140: {  	s0 =	sadd.s32 @!p0 $0x100000, s0  }
0x141: {  	[sflag:s0] =	ssyncadd.tile.s32 @!p0 $0x1;
	_ =	shalt  }
.Lfunc_end2:
_tile_overlayer_lowered:
.L_overlay_start_2:
0x142: {  	(tag) =	ssettag $0x2  }
0x143: {  	s0 =	rddreg [dreg:$0x0];
	s2 =	stileid.u32  }
0x144: {  	s1 =	rddreg [dreg:$0x1];
	p0 =	sne.s32 s2, $0x0  }
0x145: {  	s3 =	rddreg [dreg:$0x2];
	[bflag:$0x3] =	sbarrier.arrive $0xFFFF;
	s2 =	simm.s32 @!p0 $0x1C01  }
0x146: {  	[timem:s3], [sflag:s2] =	dma.local @!p0 [hbm:s0], s1  }
0x147: {  	s0 =	simm.s32 @!p0 $0x1  }
0x148: {  	_ =	swait.ge @!p0 [sflag:s0], s1  }
0x149: {  	s1 =	ssub.s32 @!p0 $0x0, s1;
	[sflag:s0] =	ssyncset.done @!p0 $0x0  }
0x14a: {  	[sflag:s0] =	ssyncadd.s32 @!p0 s1  }
0x14b: {  	[bflag:$0x3] =	sbarrier.arrive $0xFFFF  }
0x14c: {  	_ =	shalt  }

</sc_bundles>
